<compile_context>
chip_gen: v7x
topology: tpu7x:2x2x1
jax: 0.10.2.dev20260603
libtpu: 0.0.44.dev20260713+nightly
codegen_flags: <defaults>
</compile_context>

<pallas_src>
import functools

import jax
import jax.numpy as jnp
from jax import lax
from jax.experimental import pallas as pl
from jax.experimental.pallas import tpu as pltpu
from jax.experimental.pallas import tpu_sc as plsc

VOCAB = 100000
D = 64
B = 1024
CTX = 10

NC = 2
NS = 16
L = 16
NW = NC * NS
B_PER_W = B // NW
IDX_PER_W = B_PER_W * CTX


def _sc_pool_body(table_hbm, idx_hbm, out_hbm, idx_v, rows_v, out_v, sem):
    wid = lax.axis_index("s") * NC + lax.axis_index("c")
    ibase = wid * IDX_PER_W
    pltpu.sync_copy(idx_hbm.at[pl.ds(ibase, IDX_PER_W)], idx_v)
    pltpu.async_copy(table_hbm.at[idx_v], rows_v, sem).wait()

    def body(i, carry):
        for v in range(D // L):
            acc = rows_v[i * CTX, pl.ds(v * L, L)]
            for c in range(1, CTX):
                acc = acc + rows_v[i * CTX + c, pl.ds(v * L, L)]
            out_v[i, pl.ds(v * L, L)] = acc * (1.0 / CTX)
        return carry

    lax.fori_loop(0, B_PER_W, body, 0)
    pltpu.sync_copy(out_v, out_hbm.at[pl.ds(wid * B_PER_W, B_PER_W)])


_sc_pool = functools.partial(
    pl.kernel,
    out_type=jax.ShapeDtypeStruct((B, D), jnp.float32),
    mesh=plsc.VectorSubcoreMesh(core_axis_name="c", subcore_axis_name="s"),
    scratch_types=[
        pltpu.VMEM((IDX_PER_W,), jnp.int32),
        pltpu.VMEM((IDX_PER_W, D), jnp.float32),
        pltpu.VMEM((B_PER_W, D), jnp.float32),
        pltpu.SemaphoreType.DMA,
    ],
    compiler_params=pltpu.CompilerParams(use_tc_tiling_on_sc=False),
)(_sc_pool_body)


B_BLK = 64
NBB = B // B_BLK


def _mm_body(x_ref, wt_ref, o_ref):
    o_ref[0] = lax.dot_general(
        x_ref[...].astype(jnp.bfloat16),
        wt_ref[...],
        (((1,), (0,)), ((), ())),
        preferred_element_type=jnp.float32,
    )


_mm = pl.pallas_call(
    _mm_body,
    grid=(NBB,),
    in_specs=[
        pl.BlockSpec((B_BLK, D), lambda i: (i, 0)),
        pl.BlockSpec((D, VOCAB), lambda i: (0, 0)),
    ],
    out_specs=pl.BlockSpec((1, B_BLK, VOCAB), lambda i: (i, 0, 0)),
    out_shape=jax.ShapeDtypeStruct((B // B_BLK, B_BLK, VOCAB), jnp.float32),
    compiler_params=pltpu.CompilerParams(vmem_limit_bytes=120 * 1024 * 1024),
)


def kernel(context_indices, emb_table, W):
    idx = context_indices.reshape(-1).astype(jnp.int32)
    pooled = _sc_pool(emb_table, idx)
    return _mm(pooled, W.T.astype(jnp.bfloat16)).reshape(B, VOCAB)

# --- scband reference (transcript-rebuilt; emitter-appended) ---
"""Pipeline reference for scband-word2-vec-38079180046938 (READ-ONLY COPY).

The authoritative reference and input builder live on the scoring server;
editing this copy changes nothing except your own understanding.
"""

import jax, jax.numpy as jnp
import numpy as np

VOCAB = 100000
D_MODEL = 64
BATCH = 1024
CTX = 10

def setup_inputs(seed: int = 0) -> dict:
    key = jax.random.key(seed)
    k1, k2, k3 = jax.random.split(key, 3)
    context_indices = jax.random.randint(k1, (BATCH, CTX), 0, VOCAB, dtype=jnp.int64 if jax.config.jax_enable_x64 else jnp.int32)
    emb_table = jax.random.normal(k2, (VOCAB, D_MODEL), dtype=jnp.float32)
    # nn.Linear(d_model, vocab_size, bias=False) -> weight shape [vocab, d_model]
    W = jax.random.normal(k3, (VOCAB, D_MODEL), dtype=jnp.float32) * (1.0 / np.sqrt(D_MODEL))
    return {"context_indices": context_indices, "emb_table": emb_table, "W": W}

def reference(context_indices, emb_table, W):
    # CBOW forward: gather context embeddings, mean-pool, project to vocab logits
    ctx_embed = jnp.take(emb_table, context_indices, axis=0)  # [B, CTX, D]
    ctx_mean = jnp.mean(ctx_embed, axis=1)                    # [B, D]
    logits = ctx_mean @ W.T                                   # [B, VOCAB]
    return logits

if __name__ == "__main__":
    import jax
    _d = setup_inputs()
    print(jax.jit(kernel)(*tuple(_d.values())))

</pallas_src>

<mosaic_0001>
#map = affine_map<(d0, d1) -> (0, 0)>
#map1 = affine_map<(d0, d1) -> (0)>
module attributes {stable_mosaic.version = 14 : i64} {
  func.func @_sc_pool_body(%arg0: i32, %arg1: i32, %arg2: memref<100000x64xf32, #tpu.memory_space<hbm>>, %arg3: memref<10240xi32, #tpu.memory_space<hbm>>, %arg4: memref<1024x64xf32, #tpu.memory_space<hbm>>, %arg5: memref<320xi32, #tpu.memory_space<vmem>>, %arg6: memref<320x64xf32, #tpu.memory_space<vmem>>, %arg7: memref<32x64xf32, #tpu.memory_space<vmem>>, %arg8: memref<!tpu.dma_semaphore, #tpu.memory_space<semaphore_mem>>) attributes {dimension_semantics = [#tpu.dimension_semantics<core_parallel>, #tpu.dimension_semantics<subcore_parallel>], iteration_bounds = array<i64: 2, 16>, scalar_prefetch = 0 : i64, scratch_operands = 4 : i64, tpu.core_type = #tpu.core_type<sc_vector_subcore>, window_params = [{transform_indices = #map}, {transform_indices = #map1}, {transform_indices = #map}]} {
    %mul3A = arith.constant 2 : i32
    %mul3A_0 = arith.muli %arg1, %mul3A : i32
    %add3A = arith.addi %mul3A_0, %arg0 : i32
    %mul3A_1 = arith.constant 320 : i32
    %mul3A_2 = arith.muli %add3A, %mul3A_1 : i32
    "tpu.region"() ({
      %run_scoped3A = tpu.sem_alloc : memref<!tpu.dma_semaphore, #tpu.memory_space<semaphore_mem>>
      %dma_start3A_14 = tpu.memref_slice %arg3[%mul3A_2] : memref<10240xi32, #tpu.memory_space<hbm>> -> memref<320xi32, #tpu.memory_space<hbm>>
      %dma_start3A_15 = tpu.memref_slice %arg3[%mul3A_2] : memref<10240xi32, #tpu.memory_space<hbm>> -> memref<320xi32, #tpu.memory_space<hbm>>
      tpu.enqueue_dma source(%dma_start3A_15 : memref<320xi32, #tpu.memory_space<hbm>>) target(%arg5 : memref<320xi32, #tpu.memory_space<vmem>>) target_semaphore(%run_scoped3A : memref<!tpu.dma_semaphore, #tpu.memory_space<semaphore_mem>>)
      %dma_wait3A_16 = tpu.memref_slice %arg3[%mul3A_2] : memref<10240xi32, #tpu.memory_space<hbm>> -> memref<320xi32, #tpu.memory_space<hbm>>
      %dma_wait3A_17 = tpu.memref_slice %arg3[%mul3A_2] : memref<10240xi32, #tpu.memory_space<hbm>> -> memref<320xi32, #tpu.memory_space<hbm>>
      tpu.wait_dma2 semaphore(%run_scoped3A : memref<!tpu.dma_semaphore, #tpu.memory_space<semaphore_mem>>) src(%dma_wait3A_17 : memref<320xi32, #tpu.memory_space<hbm>>) dst(%arg5 : memref<320xi32, #tpu.memory_space<vmem>>)
      tpu.yield
    }) : () -> ()
    %dma_start3A = arith.constant 0 : i32
    %dma_start3A_3 = arith.constant 0 : i32
    %dma_start3A_4 = tpu.memref_slice %arg2[%dma_start3A, %dma_start3A_3] : memref<100000x64xf32, #tpu.memory_space<hbm>> -> memref<100000x64xf32, #tpu.memory_space<hbm>>
    tpu.enqueue_indirect_dma source(%dma_start3A_4 : memref<100000x64xf32, #tpu.memory_space<hbm>>) target(%arg6 : memref<320x64xf32, #tpu.memory_space<vmem>>) offsets(%arg5 : memref<320xi32, #tpu.memory_space<vmem>>) semaphore(%arg8 : memref<!tpu.dma_semaphore, #tpu.memory_space<semaphore_mem>>)
    %dma_wait3A = arith.constant 0 : i32
    %dma_wait3A_5 = arith.constant 0 : i32
    %dma_wait3A_6 = tpu.memref_slice %arg2[%dma_wait3A, %dma_wait3A_5] : memref<100000x64xf32, #tpu.memory_space<hbm>> -> memref<100000x64xf32, #tpu.memory_space<hbm>>
    tpu.wait_indirect_dma semaphore(%arg8 : memref<!tpu.dma_semaphore, #tpu.memory_space<semaphore_mem>>) src(%dma_wait3A_6 : memref<100000x64xf32, #tpu.memory_space<hbm>>) dst(%arg6 : memref<320x64xf32, #tpu.memory_space<vmem>>)
    %scan3A = arith.constant 0 : i32
    %scan3A_7 = arith.constant 0 : i32
    %scan3A_8 = arith.constant 32 : i32
    %scan3A_9 = arith.addi %scan3A_7, %scan3A_8 : i32
    %scan3A_10 = arith.constant 1 : i32
    scf.for %scan3A_14 = %scan3A_7 to %scan3A_9 step %scan3A_10  : i32 {
      %mul3A_15 = arith.constant 10 : i32
      %mul3A_16 = arith.muli %scan3A_14, %mul3A_15 : i32
      %get3A = arith.index_cast %mul3A_16 : i32 to index
      %get3A_17 = arith.constant 0 : index
      %get3A_18 = tpu.vector_load %arg6[%get3A, %get3A_17] {strides = array<i32>} : memref<320x64xf32, #tpu.memory_space<vmem>>, vector<1x16xf32>,
      %get3A_19 = vector.shape_cast %get3A_18 : vector<1x16xf32> to vector<16xf32>
      %mul3A_20 = arith.constant 10 : i32
      %mul3A_21 = arith.muli %scan3A_14, %mul3A_20 : i32
      %add3A_22 = arith.constant 1 : i32
      %add3A_23 = arith.addi %mul3A_21, %add3A_22 : i32
      %get3A_24 = arith.index_cast %add3A_23 : i32 to index
      %get3A_25 = arith.constant 0 : index
      %get3A_26 = tpu.vector_load %arg6[%get3A_24, %get3A_25] {strides = array<i32>} : memref<320x64xf32, #tpu.memory_space<vmem>>, vector<1x16xf32>,
      %get3A_27 = vector.shape_cast %get3A_26 : vector<1x16xf32> to vector<16xf32>
      %add3A_28 = arith.addf %get3A_19, %get3A_27 : vector<16xf32>
      %mul3A_29 = arith.constant 10 : i32
      %mul3A_30 = arith.muli %scan3A_14, %mul3A_29 : i32
      %add3A_31 = arith.constant 2 : i32
      %add3A_32 = arith.addi %mul3A_30, %add3A_31 : i32
      %get3A_33 = arith.index_cast %add3A_32 : i32 to index
      %get3A_34 = arith.constant 0 : index
      %get3A_35 = tpu.vector_load %arg6[%get3A_33, %get3A_34] {strides = array<i32>} : memref<320x64xf32, #tpu.memory_space<vmem>>, vector<1x16xf32>,
      %get3A_36 = vector.shape_cast %get3A_35 : vector<1x16xf32> to vector<16xf32>
      %add3A_37 = arith.addf %add3A_28, %get3A_36 : vector<16xf32>
      %mul3A_38 = arith.constant 10 : i32
      %mul3A_39 = arith.muli %scan3A_14, %mul3A_38 : i32
      %add3A_40 = arith.constant 3 : i32
      %add3A_41 = arith.addi %mul3A_39, %add3A_40 : i32
      %get3A_42 = arith.index_cast %add3A_41 : i32 to index
      %get3A_43 = arith.constant 0 : index
      %get3A_44 = tpu.vector_load %arg6[%get3A_42, %get3A_43] {strides = array<i32>} : memref<320x64xf32, #tpu.memory_space<vmem>>, vector<1x16xf32>,
      %get3A_45 = vector.shape_cast %get3A_44 : vector<1x16xf32> to vector<16xf32>
      %add3A_46 = arith.addf %add3A_37, %get3A_45 : vector<16xf32>
      %mul3A_47 = arith.constant 10 : i32
      %mul3A_48 = arith.muli %scan3A_14, %mul3A_47 : i32
      %add3A_49 = arith.constant 4 : i32
      %add3A_50 = arith.addi %mul3A_48, %add3A_49 : i32
      %get3A_51 = arith.index_cast %add3A_50 : i32 to index
      %get3A_52 = arith.constant 0 : index
      %get3A_53 = tpu.vector_load %arg6[%get3A_51, %get3A_52] {strides = array<i32>} : memref<320x64xf32, #tpu.memory_space<vmem>>, vector<1x16xf32>,
      %get3A_54 = vector.shape_cast %get3A_53 : vector<1x16xf32> to vector<16xf32>
      %add3A_55 = arith.addf %add3A_46, %get3A_54 : vector<16xf32>
      %mul3A_56 = arith.constant 10 : i32
      %mul3A_57 = arith.muli %scan3A_14, %mul3A_56 : i32
      %add3A_58 = arith.constant 5 : i32
      %add3A_59 = arith.addi %mul3A_57, %add3A_58 : i32
      %get3A_60 = arith.index_cast %add3A_59 : i32 to index
      %get3A_61 = arith.constant 0 : index
      %get3A_62 = tpu.vector_load %arg6[%get3A_60, %get3A_61] {strides = array<i32>} : memref<320x64xf32, #tpu.memory_space<vmem>>, vector<1x16xf32>,
      %get3A_63 = vector.shape_cast %get3A_62 : vector<1x16xf32> to vector<16xf32>
      %add3A_64 = arith.addf %add3A_55, %get3A_63 : vector<16xf32>
      %mul3A_65 = arith.constant 10 : i32
      %mul3A_66 = arith.muli %scan3A_14, %mul3A_65 : i32
      %add3A_67 = arith.constant 6 : i32
      %add3A_68 = arith.addi %mul3A_66, %add3A_67 : i32
      %get3A_69 = arith.index_cast %add3A_68 : i32 to index
      %get3A_70 = arith.constant 0 : index
      %get3A_71 = tpu.vector_load %arg6[%get3A_69, %get3A_70] {strides = array<i32>} : memref<320x64xf32, #tpu.memory_space<vmem>>, vector<1x16xf32>,
      %get3A_72 = vector.shape_cast %get3A_71 : vector<1x16xf32> to vector<16xf32>
      %add3A_73 = arith.addf %add3A_64, %get3A_72 : vector<16xf32>
      %mul3A_74 = arith.constant 10 : i32
      %mul3A_75 = arith.muli %scan3A_14, %mul3A_74 : i32
      %add3A_76 = arith.constant 7 : i32
      %add3A_77 = arith.addi %mul3A_75, %add3A_76 : i32
      %get3A_78 = arith.index_cast %add3A_77 : i32 to index
      %get3A_79 = arith.constant 0 : index
      %get3A_80 = tpu.vector_load %arg6[%get3A_78, %get3A_79] {strides = array<i32>} : memref<320x64xf32, #tpu.memory_space<vmem>>, vector<1x16xf32>,
      %get3A_81 = vector.shape_cast %get3A_80 : vector<1x16xf32> to vector<16xf32>
      %add3A_82 = arith.addf %add3A_73, %get3A_81 : vector<16xf32>
      %mul3A_83 = arith.constant 10 : i32
      %mul3A_84 = arith.muli %scan3A_14, %mul3A_83 : i32
      %add3A_85 = arith.constant 8 : i32
      %add3A_86 = arith.addi %mul3A_84, %add3A_85 : i32
      %get3A_87 = arith.index_cast %add3A_86 : i32 to index
      %get3A_88 = arith.constant 0 : index
      %get3A_89 = tpu.vector_load %arg6[%get3A_87, %get3A_88] {strides = array<i32>} : memref<320x64xf32, #tpu.memory_space<vmem>>, vector<1x16xf32>,
      %get3A_90 = vector.shape_cast %get3A_89 : vector<1x16xf32> to vector<16xf32>
      %add3A_91 = arith.addf %add3A_82, %get3A_90 : vector<16xf32>
      %mul3A_92 = arith.constant 10 : i32
      %mul3A_93 = arith.muli %scan3A_14, %mul3A_92 : i32
      %add3A_94 = arith.constant 9 : i32
      %add3A_95 = arith.addi %mul3A_93, %add3A_94 : i32
      %get3A_96 = arith.index_cast %add3A_95 : i32 to index
      %get3A_97 = arith.constant 0 : index
      %get3A_98 = tpu.vector_load %arg6[%get3A_96, %get3A_97] {strides = array<i32>} : memref<320x64xf32, #tpu.memory_space<vmem>>, vector<1x16xf32>,
      %get3A_99 = vector.shape_cast %get3A_98 : vector<1x16xf32> to vector<16xf32>
      %add3A_100 = arith.addf %add3A_91, %get3A_99 : vector<16xf32>
      %mul3A_101 = arith.constant 1.000000e-01 : f32
      %mul3A_102 = vector.broadcast %mul3A_101 : f32 to vector<16xf32>
      %mul3A_103 = arith.mulf %add3A_100, %mul3A_102 : vector<16xf32>
      %swap3A = arith.index_cast %scan3A_14 : i32 to index
      %swap3A_104 = arith.constant 0 : index
      %swap3A_105 = tpu.vector_load %arg7[%swap3A, %swap3A_104] {strides = array<i32>} : memref<32x64xf32, #tpu.memory_space<vmem>>, vector<1x16xf32>,
      %swap3A_106 = vector.shape_cast %swap3A_105 : vector<1x16xf32> to vector<16xf32>
      %swap3A_107 = vector.shape_cast %mul3A_103 : vector<16xf32> to vector<1x16xf32>
      tpu.vector_store %arg7[%swap3A, %swap3A_104], %swap3A_107 {strides = array<i32>} : memref<32x64xf32, #tpu.memory_space<vmem>>, vector<1x16xf32>,
      %mul3A_108 = arith.constant 10 : i32
      %mul3A_109 = arith.muli %scan3A_14, %mul3A_108 : i32
      %get3A_110 = arith.index_cast %mul3A_109 : i32 to index
      %get3A_111 = arith.constant 16 : index
      %get3A_112 = tpu.vector_load %arg6[%get3A_110, %get3A_111] {strides = array<i32>} : memref<320x64xf32, #tpu.memory_space<vmem>>, vector<1x16xf32>,
      %get3A_113 = vector.shape_cast %get3A_112 : vector<1x16xf32> to vector<16xf32>
      %mul3A_114 = arith.constant 10 : i32
      %mul3A_115 = arith.muli %scan3A_14, %mul3A_114 : i32
      %add3A_116 = arith.constant 1 : i32
      %add3A_117 = arith.addi %mul3A_115, %add3A_116 : i32
      %get3A_118 = arith.index_cast %add3A_117 : i32 to index
      %get3A_119 = arith.constant 16 : index
      %get3A_120 = tpu.vector_load %arg6[%get3A_118, %get3A_119] {strides = array<i32>} : memref<320x64xf32, #tpu.memory_space<vmem>>, vector<1x16xf32>,
      %get3A_121 = vector.shape_cast %get3A_120 : vector<1x16xf32> to vector<16xf32>
      %add3A_122 = arith.addf %get3A_113, %get3A_121 : vector<16xf32>
      %mul3A_123 = arith.constant 10 : i32
      %mul3A_124 = arith.muli %scan3A_14, %mul3A_123 : i32
      %add3A_125 = arith.constant 2 : i32
      %add3A_126 = arith.addi %mul3A_124, %add3A_125 : i32
      %get3A_127 = arith.index_cast %add3A_126 : i32 to index
      %get3A_128 = arith.constant 16 : index
      %get3A_129 = tpu.vector_load %arg6[%get3A_127, %get3A_128] {strides = array<i32>} : memref<320x64xf32, #tpu.memory_space<vmem>>, vector<1x16xf32>,
      %get3A_130 = vector.shape_cast %get3A_129 : vector<1x16xf32> to vector<16xf32>
      %add3A_131 = arith.addf %add3A_122, %get3A_130 : vector<16xf32>
      %mul3A_132 = arith.constant 10 : i32
      %mul3A_133 = arith.muli %scan3A_14, %mul3A_132 : i32
      %add3A_134 = arith.constant 3 : i32
      %add3A_135 = arith.addi %mul3A_133, %add3A_134 : i32
      %get3A_136 = arith.index_cast %add3A_135 : i32 to index
      %get3A_137 = arith.constant 16 : index
      %get3A_138 = tpu.vector_load %arg6[%get3A_136, %get3A_137] {strides = array<i32>} : memref<320x64xf32, #tpu.memory_space<vmem>>, vector<1x16xf32>,
      %get3A_139 = vector.shape_cast %get3A_138 : vector<1x16xf32> to vector<16xf32>
      %add3A_140 = arith.addf %add3A_131, %get3A_139 : vector<16xf32>
      %mul3A_141 = arith.constant 10 : i32
      %mul3A_142 = arith.muli %scan3A_14, %mul3A_141 : i32
      %add3A_143 = arith.constant 4 : i32
      %add3A_144 = arith.addi %mul3A_142, %add3A_143 : i32
      %get3A_145 = arith.index_cast %add3A_144 : i32 to index
      %get3A_146 = arith.constant 16 : index
      %get3A_147 = tpu.vector_load %arg6[%get3A_145, %get3A_146] {strides = array<i32>} : memref<320x64xf32, #tpu.memory_space<vmem>>, vector<1x16xf32>,
      %get3A_148 = vector.shape_cast %get3A_147 : vector<1x16xf32> to vector<16xf32>
      %add3A_149 = arith.addf %add3A_140, %get3A_148 : vector<16xf32>
      %mul3A_150 = arith.constant 10 : i32
      %mul3A_151 = arith.muli %scan3A_14, %mul3A_150 : i32
      %add3A_152 = arith.constant 5 : i32
      %add3A_153 = arith.addi %mul3A_151, %add3A_152 : i32
      %get3A_154 = arith.index_cast %add3A_153 : i32 to index
      %get3A_155 = arith.constant 16 : index
      %get3A_156 = tpu.vector_load %arg6[%get3A_154, %get3A_155] {strides = array<i32>} : memref<320x64xf32, #tpu.memory_space<vmem>>, vector<1x16xf32>,
      %get3A_157 = vector.shape_cast %get3A_156 : vector<1x16xf32> to vector<16xf32>
      %add3A_158 = arith.addf %add3A_149, %get3A_157 : vector<16xf32>
      %mul3A_159 = arith.constant 10 : i32
      %mul3A_160 = arith.muli %scan3A_14, %mul3A_159 : i32
      %add3A_161 = arith.constant 6 : i32
      %add3A_162 = arith.addi %mul3A_160, %add3A_161 : i32
      %get3A_163 = arith.index_cast %add3A_162 : i32 to index
      %get3A_164 = arith.constant 16 : index
      %get3A_165 = tpu.vector_load %arg6[%get3A_163, %get3A_164] {strides = array<i32>} : memref<320x64xf32, #tpu.memory_space<vmem>>, vector<1x16xf32>,
      %get3A_166 = vector.shape_cast %get3A_165 : vector<1x16xf32> to vector<16xf32>
      %add3A_167 = arith.addf %add3A_158, %get3A_166 : vector<16xf32>
      %mul3A_168 = arith.constant 10 : i32
      %mul3A_169 = arith.muli %scan3A_14, %mul3A_168 : i32
      %add3A_170 = arith.constant 7 : i32
      %add3A_171 = arith.addi %mul3A_169, %add3A_170 : i32
      %get3A_172 = arith.index_cast %add3A_171 : i32 to index
      %get3A_173 = arith.constant 16 : index
      %get3A_174 = tpu.vector_load %arg6[%get3A_172, %get3A_173] {strides = array<i32>} : memref<320x64xf32, #tpu.memory_space<vmem>>, vector<1x16xf32>,
      %get3A_175 = vector.shape_cast %get3A_174 : vector<1x16xf32> to vector<16xf32>
      %add3A_176 = arith.addf %add3A_167, %get3A_175 : vector<16xf32>
      %mul3A_177 = arith.constant 10 : i32
      %mul3A_178 = arith.muli %scan3A_14, %mul3A_177 : i32
      %add3A_179 = arith.constant 8 : i32
      %add3A_180 = arith.addi %mul3A_178, %add3A_179 : i32
      %get3A_181 = arith.index_cast %add3A_180 : i32 to index
      %get3A_182 = arith.constant 16 : index
      %get3A_183 = tpu.vector_load %arg6[%get3A_181, %get3A_182] {strides = array<i32>} : memref<320x64xf32, #tpu.memory_space<vmem>>, vector<1x16xf32>,
      %get3A_184 = vector.shape_cast %get3A_183 : vector<1x16xf32> to vector<16xf32>
      %add3A_185 = arith.addf %add3A_176, %get3A_184 : vector<16xf32>
      %mul3A_186 = arith.constant 10 : i32
      %mul3A_187 = arith.muli %scan3A_14, %mul3A_186 : i32
      %add3A_188 = arith.constant 9 : i32
      %add3A_189 = arith.addi %mul3A_187, %add3A_188 : i32
      %get3A_190 = arith.index_cast %add3A_189 : i32 to index
      %get3A_191 = arith.constant 16 : index
      %get3A_192 = tpu.vector_load %arg6[%get3A_190, %get3A_191] {strides = array<i32>} : memref<320x64xf32, #tpu.memory_space<vmem>>, vector<1x16xf32>,
      %get3A_193 = vector.shape_cast %get3A_192 : vector<1x16xf32> to vector<16xf32>
      %add3A_194 = arith.addf %add3A_185, %get3A_193 : vector<16xf32>
      %mul3A_195 = arith.constant 1.000000e-01 : f32
      %mul3A_196 = vector.broadcast %mul3A_195 : f32 to vector<16xf32>
      %mul3A_197 = arith.mulf %add3A_194, %mul3A_196 : vector<16xf32>
      %swap3A_198 = arith.index_cast %scan3A_14 : i32 to index
      %swap3A_199 = arith.constant 16 : index
      %swap3A_200 = tpu.vector_load %arg7[%swap3A_198, %swap3A_199] {strides = array<i32>} : memref<32x64xf32, #tpu.memory_space<vmem>>, vector<1x16xf32>,
      %swap3A_201 = vector.shape_cast %swap3A_200 : vector<1x16xf32> to vector<16xf32>
      %swap3A_202 = vector.shape_cast %mul3A_197 : vector<16xf32> to vector<1x16xf32>
      tpu.vector_store %arg7[%swap3A_198, %swap3A_199], %swap3A_202 {strides = array<i32>} : memref<32x64xf32, #tpu.memory_space<vmem>>, vector<1x16xf32>,
      %mul3A_203 = arith.constant 10 : i32
      %mul3A_204 = arith.muli %scan3A_14, %mul3A_203 : i32
      %get3A_205 = arith.index_cast %mul3A_204 : i32 to index
      %get3A_206 = arith.constant 32 : index
      %get3A_207 = tpu.vector_load %arg6[%get3A_205, %get3A_206] {strides = array<i32>} : memref<320x64xf32, #tpu.memory_space<vmem>>, vector<1x16xf32>,
      %get3A_208 = vector.shape_cast %get3A_207 : vector<1x16xf32> to vector<16xf32>
      %mul3A_209 = arith.constant 10 : i32
      %mul3A_210 = arith.muli %scan3A_14, %mul3A_209 : i32
      %add3A_211 = arith.constant 1 : i32
      %add3A_212 = arith.addi %mul3A_210, %add3A_211 : i32
      %get3A_213 = arith.index_cast %add3A_212 : i32 to index
      %get3A_214 = arith.constant 32 : index
      %get3A_215 = tpu.vector_load %arg6[%get3A_213, %get3A_214] {strides = array<i32>} : memref<320x64xf32, #tpu.memory_space<vmem>>, vector<1x16xf32>,
      %get3A_216 = vector.shape_cast %get3A_215 : vector<1x16xf32> to vector<16xf32>
      %add3A_217 = arith.addf %get3A_208, %get3A_216 : vector<16xf32>
      %mul3A_218 = arith.constant 10 : i32
      %mul3A_219 = arith.muli %scan3A_14, %mul3A_218 : i32
      %add3A_220 = arith.constant 2 : i32
      %add3A_221 = arith.addi %mul3A_219, %add3A_220 : i32
      %get3A_222 = arith.index_cast %add3A_221 : i32 to index
      %get3A_223 = arith.constant 32 : index
      %get3A_224 = tpu.vector_load %arg6[%get3A_222, %get3A_223] {strides = array<i32>} : memref<320x64xf32, #tpu.memory_space<vmem>>, vector<1x16xf32>,
      %get3A_225 = vector.shape_cast %get3A_224 : vector<1x16xf32> to vector<16xf32>
      %add3A_226 = arith.addf %add3A_217, %get3A_225 : vector<16xf32>
      %mul3A_227 = arith.constant 10 : i32
      %mul3A_228 = arith.muli %scan3A_14, %mul3A_227 : i32
      %add3A_229 = arith.constant 3 : i32
      %add3A_230 = arith.addi %mul3A_228, %add3A_229 : i32
      %get3A_231 = arith.index_cast %add3A_230 : i32 to index
      %get3A_232 = arith.constant 32 : index
      %get3A_233 = tpu.vector_load %arg6[%get3A_231, %get3A_232] {strides = array<i32>} : memref<320x64xf32, #tpu.memory_space<vmem>>, vector<1x16xf32>,
      %get3A_234 = vector.shape_cast %get3A_233 : vector<1x16xf32> to vector<16xf32>
      %add3A_235 = arith.addf %add3A_226, %get3A_234 : vector<16xf32>
      %mul3A_236 = arith.constant 10 : i32
      %mul3A_237 = arith.muli %scan3A_14, %mul3A_236 : i32
      %add3A_238 = arith.constant 4 : i32
      %add3A_239 = arith.addi %mul3A_237, %add3A_238 : i32
      %get3A_240 = arith.index_cast %add3A_239 : i32 to index
      %get3A_241 = arith.constant 32 : index
      %get3A_242 = tpu.vector_load %arg6[%get3A_240, %get3A_241] {strides = array<i32>} : memref<320x64xf32, #tpu.memory_space<vmem>>, vector<1x16xf32>,
      %get3A_243 = vector.shape_cast %get3A_242 : vector<1x16xf32> to vector<16xf32>
      %add3A_244 = arith.addf %add3A_235, %get3A_243 : vector<16xf32>
      %mul3A_245 = arith.constant 10 : i32
      %mul3A_246 = arith.muli %scan3A_14, %mul3A_245 : i32
      %add3A_247 = arith.constant 5 : i32
      %add3A_248 = arith.addi %mul3A_246, %add3A_247 : i32
      %get3A_249 = arith.index_cast %add3A_248 : i32 to index
      %get3A_250 = arith.constant 32 : index
      %get3A_251 = tpu.vector_load %arg6[%get3A_249, %get3A_250] {strides = array<i32>} : memref<320x64xf32, #tpu.memory_space<vmem>>, vector<1x16xf32>,
      %get3A_252 = vector.shape_cast %get3A_251 : vector<1x16xf32> to vector<16xf32>
      %add3A_253 = arith.addf %add3A_244, %get3A_252 : vector<16xf32>
      %mul3A_254 = arith.constant 10 : i32
      %mul3A_255 = arith.muli %scan3A_14, %mul3A_254 : i32
      %add3A_256 = arith.constant 6 : i32
      %add3A_257 = arith.addi %mul3A_255, %add3A_256 : i32
      %get3A_258 = arith.index_cast %add3A_257 : i32 to index
      %get3A_259 = arith.constant 32 : index
      %get3A_260 = tpu.vector_load %arg6[%get3A_258, %get3A_259] {strides = array<i32>} : memref<320x64xf32, #tpu.memory_space<vmem>>, vector<1x16xf32>,
      %get3A_261 = vector.shape_cast %get3A_260 : vector<1x16xf32> to vector<16xf32>
      %add3A_262 = arith.addf %add3A_253, %get3A_261 : vector<16xf32>
      %mul3A_263 = arith.constant 10 : i32
      %mul3A_264 = arith.muli %scan3A_14, %mul3A_263 : i32
      %add3A_265 = arith.constant 7 : i32
      %add3A_266 = arith.addi %mul3A_264, %add3A_265 : i32
      %get3A_267 = arith.index_cast %add3A_266 : i32 to index
      %get3A_268 = arith.constant 32 : index
      %get3A_269 = tpu.vector_load %arg6[%get3A_267, %get3A_268] {strides = array<i32>} : memref<320x64xf32, #tpu.memory_space<vmem>>, vector<1x16xf32>,
      %get3A_270 = vector.shape_cast %get3A_269 : vector<1x16xf32> to vector<16xf32>
      %add3A_271 = arith.addf %add3A_262, %get3A_270 : vector<16xf32>
      %mul3A_272 = arith.constant 10 : i32
      %mul3A_273 = arith.muli %scan3A_14, %mul3A_272 : i32
      %add3A_274 = arith.constant 8 : i32
      %add3A_275 = arith.addi %mul3A_273, %add3A_274 : i32
      %get3A_276 = arith.index_cast %add3A_275 : i32 to index
      %get3A_277 = arith.constant 32 : index
      %get3A_278 = tpu.vector_load %arg6[%get3A_276, %get3A_277] {strides = array<i32>} : memref<320x64xf32, #tpu.memory_space<vmem>>, vector<1x16xf32>,
      %get3A_279 = vector.shape_cast %get3A_278 : vector<1x16xf32> to vector<16xf32>
      %add3A_280 = arith.addf %add3A_271, %get3A_279 : vector<16xf32>
      %mul3A_281 = arith.constant 10 : i32
      %mul3A_282 = arith.muli %scan3A_14, %mul3A_281 : i32
      %add3A_283 = arith.constant 9 : i32
      %add3A_284 = arith.addi %mul3A_282, %add3A_283 : i32
      %get3A_285 = arith.index_cast %add3A_284 : i32 to index
      %get3A_286 = arith.constant 32 : index
      %get3A_287 = tpu.vector_load %arg6[%get3A_285, %get3A_286] {strides = array<i32>} : memref<320x64xf32, #tpu.memory_space<vmem>>, vector<1x16xf32>,
      %get3A_288 = vector.shape_cast %get3A_287 : vector<1x16xf32> to vector<16xf32>
      %add3A_289 = arith.addf %add3A_280, %get3A_288 : vector<16xf32>
      %mul3A_290 = arith.constant 1.000000e-01 : f32
      %mul3A_291 = vector.broadcast %mul3A_290 : f32 to vector<16xf32>
      %mul3A_292 = arith.mulf %add3A_289, %mul3A_291 : vector<16xf32>
      %swap3A_293 = arith.index_cast %scan3A_14 : i32 to index
      %swap3A_294 = arith.constant 32 : index
      %swap3A_295 = tpu.vector_load %arg7[%swap3A_293, %swap3A_294] {strides = array<i32>} : memref<32x64xf32, #tpu.memory_space<vmem>>, vector<1x16xf32>,
      %swap3A_296 = vector.shape_cast %swap3A_295 : vector<1x16xf32> to vector<16xf32>
      %swap3A_297 = vector.shape_cast %mul3A_292 : vector<16xf32> to vector<1x16xf32>
      tpu.vector_store %arg7[%swap3A_293, %swap3A_294], %swap3A_297 {strides = array<i32>} : memref<32x64xf32, #tpu.memory_space<vmem>>, vector<1x16xf32>,
      %mul3A_298 = arith.constant 10 : i32
      %mul3A_299 = arith.muli %scan3A_14, %mul3A_298 : i32
      %get3A_300 = arith.index_cast %mul3A_299 : i32 to index
      %get3A_301 = arith.constant 48 : index
      %get3A_302 = tpu.vector_load %arg6[%get3A_300, %get3A_301] {strides = array<i32>} : memref<320x64xf32, #tpu.memory_space<vmem>>, vector<1x16xf32>,
      %get3A_303 = vector.shape_cast %get3A_302 : vector<1x16xf32> to vector<16xf32>
      %mul3A_304 = arith.constant 10 : i32
      %mul3A_305 = arith.muli %scan3A_14, %mul3A_304 : i32
      %add3A_306 = arith.constant 1 : i32
      %add3A_307 = arith.addi %mul3A_305, %add3A_306 : i32
      %get3A_308 = arith.index_cast %add3A_307 : i32 to index
      %get3A_309 = arith.constant 48 : index
      %get3A_310 = tpu.vector_load %arg6[%get3A_308, %get3A_309] {strides = array<i32>} : memref<320x64xf32, #tpu.memory_space<vmem>>, vector<1x16xf32>,
      %get3A_311 = vector.shape_cast %get3A_310 : vector<1x16xf32> to vector<16xf32>
      %add3A_312 = arith.addf %get3A_303, %get3A_311 : vector<16xf32>
      %mul3A_313 = arith.constant 10 : i32
      %mul3A_314 = arith.muli %scan3A_14, %mul3A_313 : i32
      %add3A_315 = arith.constant 2 : i32
      %add3A_316 = arith.addi %mul3A_314, %add3A_315 : i32
      %get3A_317 = arith.index_cast %add3A_316 : i32 to index
      %get3A_318 = arith.constant 48 : index
      %get3A_319 = tpu.vector_load %arg6[%get3A_317, %get3A_318] {strides = array<i32>} : memref<320x64xf32, #tpu.memory_space<vmem>>, vector<1x16xf32>,
      %get3A_320 = vector.shape_cast %get3A_319 : vector<1x16xf32> to vector<16xf32>
      %add3A_321 = arith.addf %add3A_312, %get3A_320 : vector<16xf32>
      %mul3A_322 = arith.constant 10 : i32
      %mul3A_323 = arith.muli %scan3A_14, %mul3A_322 : i32
      %add3A_324 = arith.constant 3 : i32
      %add3A_325 = arith.addi %mul3A_323, %add3A_324 : i32
      %get3A_326 = arith.index_cast %add3A_325 : i32 to index
      %get3A_327 = arith.constant 48 : index
      %get3A_328 = tpu.vector_load %arg6[%get3A_326, %get3A_327] {strides = array<i32>} : memref<320x64xf32, #tpu.memory_space<vmem>>, vector<1x16xf32>,
      %get3A_329 = vector.shape_cast %get3A_328 : vector<1x16xf32> to vector<16xf32>
      %add3A_330 = arith.addf %add3A_321, %get3A_329 : vector<16xf32>
      %mul3A_331 = arith.constant 10 : i32
      %mul3A_332 = arith.muli %scan3A_14, %mul3A_331 : i32
      %add3A_333 = arith.constant 4 : i32
      %add3A_334 = arith.addi %mul3A_332, %add3A_333 : i32
      %get3A_335 = arith.index_cast %add3A_334 : i32 to index
      %get3A_336 = arith.constant 48 : index
      %get3A_337 = tpu.vector_load %arg6[%get3A_335, %get3A_336] {strides = array<i32>} : memref<320x64xf32, #tpu.memory_space<vmem>>, vector<1x16xf32>,
      %get3A_338 = vector.shape_cast %get3A_337 : vector<1x16xf32> to vector<16xf32>
      %add3A_339 = arith.addf %add3A_330, %get3A_338 : vector<16xf32>
      %mul3A_340 = arith.constant 10 : i32
      %mul3A_341 = arith.muli %scan3A_14, %mul3A_340 : i32
      %add3A_342 = arith.constant 5 : i32
      %add3A_343 = arith.addi %mul3A_341, %add3A_342 : i32
      %get3A_344 = arith.index_cast %add3A_343 : i32 to index
      %get3A_345 = arith.constant 48 : index
      %get3A_346 = tpu.vector_load %arg6[%get3A_344, %get3A_345] {strides = array<i32>} : memref<320x64xf32, #tpu.memory_space<vmem>>, vector<1x16xf32>,
      %get3A_347 = vector.shape_cast %get3A_346 : vector<1x16xf32> to vector<16xf32>
      %add3A_348 = arith.addf %add3A_339, %get3A_347 : vector<16xf32>
      %mul3A_349 = arith.constant 10 : i32
      %mul3A_350 = arith.muli %scan3A_14, %mul3A_349 : i32
      %add3A_351 = arith.constant 6 : i32
      %add3A_352 = arith.addi %mul3A_350, %add3A_351 : i32
      %get3A_353 = arith.index_cast %add3A_352 : i32 to index
      %get3A_354 = arith.constant 48 : index
      %get3A_355 = tpu.vector_load %arg6[%get3A_353, %get3A_354] {strides = array<i32>} : memref<320x64xf32, #tpu.memory_space<vmem>>, vector<1x16xf32>,
      %get3A_356 = vector.shape_cast %get3A_355 : vector<1x16xf32> to vector<16xf32>
      %add3A_357 = arith.addf %add3A_348, %get3A_356 : vector<16xf32>
      %mul3A_358 = arith.constant 10 : i32
      %mul3A_359 = arith.muli %scan3A_14, %mul3A_358 : i32
      %add3A_360 = arith.constant 7 : i32
      %add3A_361 = arith.addi %mul3A_359, %add3A_360 : i32
      %get3A_362 = arith.index_cast %add3A_361 : i32 to index
      %get3A_363 = arith.constant 48 : index
      %get3A_364 = tpu.vector_load %arg6[%get3A_362, %get3A_363] {strides = array<i32>} : memref<320x64xf32, #tpu.memory_space<vmem>>, vector<1x16xf32>,
      %get3A_365 = vector.shape_cast %get3A_364 : vector<1x16xf32> to vector<16xf32>
      %add3A_366 = arith.addf %add3A_357, %get3A_365 : vector<16xf32>
      %mul3A_367 = arith.constant 10 : i32
      %mul3A_368 = arith.muli %scan3A_14, %mul3A_367 : i32
      %add3A_369 = arith.constant 8 : i32
      %add3A_370 = arith.addi %mul3A_368, %add3A_369 : i32
      %get3A_371 = arith.index_cast %add3A_370 : i32 to index
      %get3A_372 = arith.constant 48 : index
      %get3A_373 = tpu.vector_load %arg6[%get3A_371, %get3A_372] {strides = array<i32>} : memref<320x64xf32, #tpu.memory_space<vmem>>, vector<1x16xf32>,
      %get3A_374 = vector.shape_cast %get3A_373 : vector<1x16xf32> to vector<16xf32>
      %add3A_375 = arith.addf %add3A_366, %get3A_374 : vector<16xf32>
      %mul3A_376 = arith.constant 10 : i32
      %mul3A_377 = arith.muli %scan3A_14, %mul3A_376 : i32
      %add3A_378 = arith.constant 9 : i32
      %add3A_379 = arith.addi %mul3A_377, %add3A_378 : i32
      %get3A_380 = arith.index_cast %add3A_379 : i32 to index
      %get3A_381 = arith.constant 48 : index
      %get3A_382 = tpu.vector_load %arg6[%get3A_380, %get3A_381] {strides = array<i32>} : memref<320x64xf32, #tpu.memory_space<vmem>>, vector<1x16xf32>,
      %get3A_383 = vector.shape_cast %get3A_382 : vector<1x16xf32> to vector<16xf32>
      %add3A_384 = arith.addf %add3A_375, %get3A_383 : vector<16xf32>
      %mul3A_385 = arith.constant 1.000000e-01 : f32
      %mul3A_386 = vector.broadcast %mul3A_385 : f32 to vector<16xf32>
      %mul3A_387 = arith.mulf %add3A_384, %mul3A_386 : vector<16xf32>
      %swap3A_388 = arith.index_cast %scan3A_14 : i32 to index
      %swap3A_389 = arith.constant 48 : index
      %swap3A_390 = tpu.vector_load %arg7[%swap3A_388, %swap3A_389] {strides = array<i32>} : memref<32x64xf32, #tpu.memory_space<vmem>>, vector<1x16xf32>,
      %swap3A_391 = vector.shape_cast %swap3A_390 : vector<1x16xf32> to vector<16xf32>
      %swap3A_392 = vector.shape_cast %mul3A_387 : vector<16xf32> to vector<1x16xf32>
      tpu.vector_store %arg7[%swap3A_388, %swap3A_389], %swap3A_392 {strides = array<i32>} : memref<32x64xf32, #tpu.memory_space<vmem>>, vector<1x16xf32>,
    }
    %scan3A_11 = arith.constant 32 : i32
    %mul3A_12 = arith.constant 32 : i32
    %mul3A_13 = arith.muli %add3A, %mul3A_12 : i32
    "tpu.region"() ({
      %run_scoped3A = tpu.sem_alloc : memref<!tpu.dma_semaphore, #tpu.memory_space<semaphore_mem>>
      %dma_start3A_14 = arith.constant 0 : i32
      %dma_start3A_15 = tpu.memref_slice %arg4[%mul3A_13, %dma_start3A_14] : memref<1024x64xf32, #tpu.memory_space<hbm>> -> memref<32x64xf32, #tpu.memory_space<hbm>>
      %dma_start3A_16 = arith.constant 0 : i32
      %dma_start3A_17 = tpu.memref_slice %arg4[%mul3A_13, %dma_start3A_16] : memref<1024x64xf32, #tpu.memory_space<hbm>> -> memref<32x64xf32, #tpu.memory_space<hbm>>
      tpu.enqueue_dma source(%arg7 : memref<32x64xf32, #tpu.memory_space<vmem>>) target(%dma_start3A_17 : memref<32x64xf32, #tpu.memory_space<hbm>>) target_semaphore(%run_scoped3A : memref<!tpu.dma_semaphore, #tpu.memory_space<semaphore_mem>>)
      %dma_wait3A_18 = arith.constant 0 : i32
      %dma_wait3A_19 = tpu.memref_slice %arg4[%mul3A_13, %dma_wait3A_18] : memref<1024x64xf32, #tpu.memory_space<hbm>> -> memref<32x64xf32, #tpu.memory_space<hbm>>
      %dma_wait3A_20 = arith.constant 0 : i32
      %dma_wait3A_21 = tpu.memref_slice %arg4[%mul3A_13, %dma_wait3A_20] : memref<1024x64xf32, #tpu.memory_space<hbm>> -> memref<32x64xf32, #tpu.memory_space<hbm>>
      tpu.wait_dma2 semaphore(%run_scoped3A : memref<!tpu.dma_semaphore, #tpu.memory_space<semaphore_mem>>) src(%arg7 : memref<32x64xf32, #tpu.memory_space<vmem>>) dst(%dma_wait3A_21 : memref<32x64xf32, #tpu.memory_space<hbm>>)
      tpu.yield
    }) : () -> ()
    return
  }
}

module attributes {stable_mosaic.version = 14 : i64} {
  func.func @_mm_body(%arg0: i32, %arg1: memref<64x64xf32, #tpu.memory_space<vmem>>, %arg2: memref<64x100000xbf16, #tpu.memory_space<vmem>>, %arg3: memref<1x64x100000xf32, #tpu.memory_space<vmem>>) attributes {dimension_semantics = [#tpu.dimension_semantics<arbitrary>], iteration_bounds = array<i64: 16>, scalar_prefetch = 0 : i64, scratch_operands = 0 : i64, tpu.core_type = #tpu.core_type<tc>, window_params = [{transform_indices = @transform_0, window_bounds = array<i64: 64, 64>}, {pipeline_mode = #tpu.pipeline_mode<synchronous>, transform_indices = @transform_1, window_bounds = array<i64: 64, 100000>}, {transform_indices = @transform_2, window_bounds = array<i64: 1, 64, 100000>}]} {
    %get3A = arith.constant 0 : index
    %get3A_0 = arith.constant 0 : index
    %get3A_1 = vector.load %arg1[%get3A, %get3A_0] : memref<64x64xf32, #tpu.memory_space<vmem>>, vector<64x64xf32>
    %convert_element_type3A = arith.truncf %get3A_1 : vector<64x64xf32> to vector<64x64xbf16>
    %get3A_2 = arith.constant 0 : index
    %get3A_3 = arith.constant 0 : index
    %get3A_4 = vector.load %arg2[%get3A_2, %get3A_3] : memref<64x100000xbf16, #tpu.memory_space<vmem>>, vector<64x100000xbf16>
    %dot_general3A = arith.constant dense<0.000000e+00> : vector<64x100000xf32>
    %dot_general3A_5 = tpu.matmul %convert_element_type3A, %get3A_4, %dot_general3A {dimension_numbers = #tpu.dot_dimension_numbers<[1], [0], [0], [1], [0, 0, 1, 1], [], []>, transpose_lhs_hint = false} : vector<64x64xbf16>, vector<64x100000xbf16>, vector<64x100000xf32> -> vector<64x100000xf32>
    %swap3A = arith.constant 0 : index
    %swap3A_6 = arith.constant 0 : index
    %swap3A_7 = arith.constant 0 : index
    %swap3A_8 = vector.load %arg3[%swap3A, %swap3A_6, %swap3A_7] : memref<1x64x100000xf32, #tpu.memory_space<vmem>>, vector<1x64x100000xf32>
    %swap3A_9 = vector.shape_cast %swap3A_8 : vector<1x64x100000xf32> to vector<64x100000xf32>
    %swap3A_10 = vector.shape_cast %dot_general3A_5 : vector<64x100000xf32> to vector<1x64x100000xf32>
    tpu.vector_store %arg3[%swap3A, %swap3A_6, %swap3A_7], %swap3A_10 {strides = array<i32>} : memref<1x64x100000xf32, #tpu.memory_space<vmem>>, vector<1x64x100000xf32>,
    return
  }
  func.func @transform_0(%arg0: i32) -> (i32, i32) {
    %c0_i32 = arith.constant 0 : i32
    %c0_i32_0 = arith.constant 0 : i32
    return %arg0, %c0_i32 : i32, i32
  }
  func.func @transform_1(%arg0: i32) -> (i32, i32) {
    %c0_i32 = arith.constant 0 : i32
    %c0_i32_0 = arith.constant 0 : i32
    %c0_i32_1 = arith.constant 0 : i32
    return %c0_i32, %c0_i32_0 : i32, i32
  }
  func.func @transform_2(%arg0: i32) -> (i32, i32, i32) {
    %c0_i32 = arith.constant 0 : i32
    %c0_i32_0 = arith.constant 0 : i32
    %c0_i32_1 = arith.constant 0 : i32
    return %arg0, %c0_i32, %c0_i32_0 : i32, i32, i32
  }
}

</mosaic_0001>

<sc_bundles>
// kernel: kernel.4.cloned.1.call-start
scs
__scs_entry_jumppad:
0x0: {  	(pc) =	sbr.rel $0x88, $3  }
0x1: {  	(tag) =	ssettag $0x0;
	lr =	simm.s32 $0x1  }
0x2: {  	[smem:$0x3F9E] =	sst lr;
	_ =	strace $0xD0000000  }
0x3: {  	_ = 	snop  }
0x4: {  	_ = 	snop  }
0x5: {  	_ = 	snop  }
0x6: {  	_ = 	snop  }
0x7: {  	_ = 	snop  }
__scs_overlays_trampoline_lowered:
0x8: {  	[smem:$0x3FAD] =	sst s0  }
0x9: {  	[smem:$0x3FAE] =	sst s1  }
0xa: {  	[smem:$0x3FAF] =	sst s2  }
0xb: {  	[smem:$0x3FB0] =	sst s3  }
0xc: {  	[smem:$0x3FB1] =	sst s4  }
0xd: {  	[smem:$0x3FB2] =	sst s5  }
0xe: {  	[smem:$0x3FB3] =	sst s6  }
0xf: {  	[smem:$0x3FB4] =	sst s7  }
0x10: {  	[smem:$0x3FB5] =	sst s8  }
0x11: {  	[smem:$0x3FB6] =	sst s9;
	s0 =	simm.s32 @!p0 $0x0  }
0x12: {  	s1 =	sld [smem:$0x3F9C];
	s0 =	simm.s32 @p0 $0x1  }
0x13: {  	[smem:$0x3FB7] =	sst s0;
	s0 =	simm.s32 @!p1 $0x0  }
0x14: {  	s2 =	sld [smem:$0x3F9B];
	s0 =	simm.s32 @p1 $0x1  }
0x15: {  	[smem:$0x3FB8] =	sst s0;
	s0 =	simm.s32 @!p2 $0x0  }
0x16: {  	s3 =	sld [smem:$0x3FDB];
	s0 =	simm.s32 @p2 $0x1  }
0x17: {  	s4 =	simm.s32 $0x1BF5;
	[smem:$0x3FBA] =	sst s0  }
0x18: {  	s0 =	sld [smem:$0x3F9D];
	_ =	swait.ge [sflag:s4], $0x0  }
0x19: {  	s7 =	sld [smem:$0x3F9E]  }
0x1a: {  	s8 =	sadd.s32 $0xFFFFE003, lr  }
0x1b: {  	s9 =	sadd.s32 $0xFFFFFEF7, lr;
	s5 =	simm.s32 $0xFFFFFFFF;
	p2 =	slt.u32 s8, $0xFFFFF086  }
0x1c: {  	p1 =	slt.u32 s9, $0xF7A;
	s5 =	simm.s32 @!p2 $0x0  }
0x1d: {  	s5 =	simm.s32 @p1 $0x1;
	p0 =	seq.s32 s7, s2  }
0x1e: {  	s7 =	smul.u32 @!p0 $0xF7A, s2;
	p2 =	seq.s32 @!p0 s5, $0x0  }
0x1f: {  	s9 =	smul.u32 $0xF7A, s1;
	s8 =	simm.s32 @!p0 $0x1BF5;
	p2 =	por !p2, p0  }
0x20: {  	[sflag:s8] =	ssyncset.s32 @!p0 $0xFFFFF086;
	s6 =	sadd.s32 @!p0 s3, s7;
	s7 =	simm.s32 @!p0 $0x108  }
0x21: {  	s3 =	sadd.s32 s3, s9;
	s6 =	sadd.s32 @!p0 $0x88, s6;
	s7 =	simm.s32 @p2 $0x1082  }
0x22: {  	[simem:s7], [sflag:s8] =	dma.local @!p0 [hbm:s6], $0xF7A  }
0x23: {  	s9 =	sor.u32 $0xD0000000, s2;
	s6 =	simm.s32 $0x108;
	_ =	swait.ge @!p0 [sflag:s8], $0x0  }
0x24: {  	s3 =	sadd.s32 $0x88, s3;
	s6 =	simm.s32 @!p1 $0x1082;
	[sflag:s4] =	ssyncset.s32 $0xFFFFF086  }
0x25: {  	[simem:s6], [sflag:s4] =	dma.local [hbm:s3], $0xF7A  }
0x26: {  	[smem:$0x3F9E] =	sst s1;
	(tag) =	ssettag s2;
	_ =	strace s9  }
0x27: {  	s1 =	sld [smem:$0x3FAE]  }
0x28: {  	s2 =	sld [smem:$0x3FAF]  }
0x29: {  	s4 =	sld [smem:$0x3FB1]  }
0x2a: {  	p0 =	seq.s32 s5, $0x0;
	s5 =	sld [smem:$0x3FB2]  }
0x2b: {  	s6 =	sld [smem:$0x3FB3]  }
0x2c: {  	s7 =	sld [smem:$0x3FB4]  }
0x2d: {  	s3 =	simm.s32 $0x108;
	s8 =	sld [smem:$0x3FB5]  }
0x2e: {  	s3 =	simm.s32 @!p0 $0x1082;
	s9 =	sld [smem:$0x3FB6]  }
0x2f: {  	lr =	sadd.s32 s0, s3;
	s0 =	sld [smem:$0x3FAD]  }
0x30: {  	s3 =	sld [smem:$0x3FB0]  }
0x31: {  	[smem:$0x3FB9] =	sst s10  }
0x32: {  	s10 =	sld [smem:$0x3FB7];
	_ =	sdelay $0x3  }
0x33: {  	p0 =	seq.s32 s10, $0x1;
	s10 =	sld [smem:$0x3FB9];
	_ =	sdelay $0x3  }
0x34: {  	[smem:$0x3FB9] =	sst s10  }
0x35: {  	s10 =	sld [smem:$0x3FB8];
	_ =	sdelay $0x3  }
0x36: {  	p1 =	seq.s32 s10, $0x1;
	s10 =	sld [smem:$0x3FB9];
	_ =	sdelay $0x3  }
0x37: {  	[smem:$0x3FB9] =	sst s10  }
0x38: {  	s10 =	sld [smem:$0x3FBA]  }
0x39: {  	_ = 	snop;
	(pc) =	sbr.ind lr, $3  }
0x3a: {  	_ = 	snop  }
0x3b: {  	_ = 	snop  }
0x3c: {  	p2 =	seq.s32 s10, $0x1;
	s10 =	sld [smem:$0x3FB9]  }
0x3d: {  	_ =	shalt  }
0x3e: {  	_ =	shalt  }
0x3f: {  	_ =	shalt  }
0x40: {  	_ =	shalt  }
0x41: {  	_ =	shalt  }
0x42: {  	_ =	shalt  }
0x43: {  	_ =	shalt  }
0x44: {  	_ =	shalt  }
0x45: {  	_ =	shalt  }
0x46: {  	_ =	shalt  }
0x47: {  	_ =	shalt  }
0x48: {  	_ =	shalt  }
0x49: {  	_ =	shalt  }
0x4a: {  	_ =	shalt  }
0x4b: {  	_ =	shalt  }
0x4c: {  	_ =	shalt  }
0x4d: {  	_ =	shalt  }
0x4e: {  	_ =	shalt  }
0x4f: {  	_ =	shalt  }
0x50: {  	_ =	shalt  }
0x51: {  	_ =	shalt  }
0x52: {  	_ =	shalt  }
0x53: {  	_ =	shalt  }
0x54: {  	_ =	shalt  }
0x55: {  	_ =	shalt  }
0x56: {  	_ =	shalt  }
0x57: {  	_ =	shalt  }
0x58: {  	_ =	shalt  }
0x59: {  	_ =	shalt  }
0x5a: {  	_ =	shalt  }
0x5b: {  	_ =	shalt  }
0x5c: {  	_ =	shalt  }
0x5d: {  	_ =	shalt  }
0x5e: {  	_ =	shalt  }
0x5f: {  	_ =	shalt  }
0x60: {  	_ =	shalt  }
0x61: {  	_ =	shalt  }
0x62: {  	_ =	shalt  }
0x63: {  	_ =	shalt  }
0x64: {  	_ =	shalt  }
0x65: {  	_ =	shalt  }
0x66: {  	_ =	shalt  }
0x67: {  	_ =	shalt  }
0x68: {  	_ =	shalt  }
0x69: {  	_ =	shalt  }
0x6a: {  	_ =	shalt  }
0x6b: {  	_ =	shalt  }
0x6c: {  	_ =	shalt  }
0x6d: {  	_ =	shalt  }
0x6e: {  	_ =	shalt  }
0x6f: {  	_ =	shalt  }
0x70: {  	_ =	shalt  }
0x71: {  	_ =	shalt  }
0x72: {  	_ =	shalt  }
0x73: {  	_ =	shalt  }
0x74: {  	_ =	shalt  }
0x75: {  	_ =	shalt  }
0x76: {  	_ =	shalt  }
0x77: {  	_ =	shalt  }
0x78: {  	_ =	shalt  }
0x79: {  	_ =	shalt  }
0x7a: {  	_ =	shalt  }
0x7b: {  	_ =	shalt  }
0x7c: {  	_ =	shalt  }
0x7d: {  	_ =	shalt  }
0x7e: {  	_ =	shalt  }
0x7f: {  	_ =	shalt  }
0x80: {  	_ =	shalt  }
0x81: {  	_ =	shalt  }
0x82: {  	_ =	shalt  }
0x83: {  	_ =	shalt  }
0x84: {  	_ =	shalt  }
0x85: {  	_ =	shalt  }
0x86: {  	_ =	shalt  }
0x87: {  	_ =	shalt  }
.Lfunc_end0:
.L_simem_size_0:
called_computation.1_lowered:
.L_overlay_start_0:
0x88: {  	s2 =	sld [smem:$0x3FD9]  }
0x89: {  	s3 =	sld [smem:$0x3FFE];
	_ =	sdelay $0x1  }
0x8a: {  	s1 =	srdreg.scid  }
0x8b: {  	s0 =	sand.u32 $0x1, s1  }
0x8c: {  	s16 =	sshll.u32 s0, $0xA;
	s2 =	sadd.s32 s3, s2  }
0x8d: {  	s2 =	sadd.s32 s2, s16  }
0x8e: {  	[smem:$0x3FC5] =	sst s2  }
0x8f: {  	_ = 	snop  }
0x90: {  	(tm) =	ssettm $0x1  }
0x91: {  	s17 =	sld [smem:$0x3FFB];
	_ =	sdelay $0x3  }
0x92: {  	_ =	strace s17  }
0x93: {  	s2 =	sld [smem:$0x3FFC];
	_ =	sdelay $0x3  }
0x94: {  	_ =	strace s2  }
0x95: {  	s2 =	sld [smem:$0x3FFD];
	_ =	sdelay $0x3  }
0x96: {  	_ =	strace s2  }
0x97: {  	_ =	strace $0x8FFFFFFF  }
0x98: {  	s18 =	sld [smem:$0x3FDB];
	_ =	sdelay $0x1  }
0x99: {  	s19 =	simm.s32 $_scs_section_size  }
0x9a: {  	s4 =	simm.s32 $_size__tile_overlayer_lowered;
	s5 =	simm.s32 $_tile_overlayer_lowered  }
0x9b: {  	s22 =	simm.s32 $0x1BFF;
	s21 =	sshll.u32 s5, $0x1;
	s2 =	sadd.s32 s19, s18  }
0x9c: {  	s6 =	simm.s32 $0x0;
	s20 =	sshll.u32 s4, $0x1;
	s4 =	sadd.s32 s21, s2  }
0x9d: {  	[timem:s6], [sflag:s22] =	dma.local [hbm:s4], s20  }
0x9e: {  	_ =	swait.ge [sflag:s22], s20  }
0x9f: {  	s3 =	ssub.s32 $0x0, s20;
	[sflag:s22] =	ssyncset.done $0x0  }
0xa0: {  	[sflag:s22] =	ssyncadd.s32 s3;
	_ =	sdelay $0x1  }
0xa1: {  	s23 =	simm.s32 $0x1B8B  }
0xa2: {  	_ =	swait.ge [sflag:s23], $0x1  }
0xa3: {  	[sflag:s23] =	ssyncset.done $0x0  }
0xa4: {  	s25 =	simm.s32 $0x1B8E;
	s24 =	sld [smem:$0x3FFE];
	[sflag:s23] =	ssyncadd.s32 $0xFFFFFFFF  }
0xa5: {  	s26 =	simm.s32 $execute0_lowered;
	[smem:$0x3FD2] =	sst s25  }
0xa6: {  	s4 =	sshll.u32 s26, $0x1;
	_ =	strace $0x80000046;
	[dreg:$0x1] =	wrdreg $0xFFFFFFFF  }
0xa7: {  	s28 =	simm.s32 $_size_execute0_lowered;
	s2 =	sadd.s32 s2, s4;
	[dreg:$0x0] =	wrdreg $0x0  }
0xa8: {  	s4 =	sshll.u32 s28, $0x1;
	[dreg:$0x2] =	wrdreg s2  }
0xa9: {  	[dreg:$0x3] =	wrdreg s4  }
0xaa: {  	[dreg:$0x4] =	wrdreg $0xC0  }
0xab: {  	_ =	task [dreg:s6], $0x5FFFF  }
0xac: {  	[dreg:$0x1] =	wrdreg $0xFFFFFFFF  }
0xad: {  	[dreg:$0x0] =	wrdreg $0x60  }
0xae: {  	[dreg:$0x2] =	wrdreg s24  }
0xaf: {  	[dreg:$0x3] =	wrdreg $0x9  }
0xb0: {  	_ =	task.clear_ibuf [dreg:s6], $0x4FFFF;
	_ =	strace $0x90000046  }
0xb1: {  	s29 =	simm.s32 $0x9;
	_ =	strace $0x80000048  }
0xb2: {  	_ =	swait.ge [sflag:s29], $0x1  }
0xb3: {  	[sflag:s29] =	ssyncadd.s32 $0xFFFFFFFF  }
0xb4: {  	_ =	strace $0x90000048  }
0xb5: {  	_ =	sfence  }
0xb6: {  	s30 =	sld [smem:$0x0];
	_ =	sdelay $0x2  }
0xb7: {  	s31 =	sshll.u32 s1, $0xD;
	s1 =	sshrl.u32 s1, $0x2  }
0xb8: {  	s3 =	sand.u32 $0x4000, s31;
	s1 =	sadd.s32 s1, s30  }
0xb9: {  	s0 =	sor.u32 s3, s0;
	s1 =	sshll.u32 s1, $0x11  }
0xba: {  	s0 =	sor.u32 s1, s0  }
0xbb: {  	s0 =	sadd.s32 $0x8F2B, s0  }
0xbc: {  	[sflag:s0] =	ssyncadd.remote.s32 $0x1  }
0xbd: {  	_ =	sfence.sel $0xFFFF  }
0xbe: {  	[dreg:$0x0] =	wrdreg $0xFFFFFFFF;
	(pc) =	sbr.abs _section_cstart, $3  }
0xbf: {  	[dreg:$0x1] =	wrdreg $0xFFFFFFFF  }
0xc0: {  	_ =	task.clear_ibuf [dreg:s6], $0x2FFFF;
	_ =	strace $0x9FFFFFFF  }
0xc1: {  	(tm) =	ssettm $0x7FFFFFFF  }
tec
execute0_lowered:
.L_overlay_start_1:
0x0: {  	(tag) =	ssettag $0x1  }
0x1: {  	s4 =	rddreg [dreg:$0x0]  }
0x2: {  	s0 =	rddreg [dreg:$0x1]  }
0x3: {  	s3 =	srdreg.scid;
	s1 =	stileid.u32;
	s2 =	simm.s32 $0x0  }
0x4: {  	s9 =	simm.s32 $0x1;
	s10 =	simm.s32 $0x5140;
	s11 =	simm.s32 $0x0  }
0x5: {  	s5 =	sand.u32 $0x1, s3;
	s30 =	sshll.u32 s1, $0x1;
	[smem:$0x7FF] =	sst s2  }
0x6: {  	s3 =	sadd.s32 $0x2A00, s4;
	s6 =	sor.u32 s5, s30;
	s5 =	ssub.s32 $0x2, s5  }
0x7: {  	s7 =	smul.u32 $0x28, s6;
	s6 =	sshll.u32 s6, $0x8;
	s31 =	sshrl.u32 s5, $0x1  }
0x8: {  	_ =	strace $0x80000047;
	s6 =	sadd.s32 s6, s4;
	s8 =	ssub.s32 s5, s31  }
0x9: {  	s7 =	sadd.s32 s7, s4;
	s5 =	sadd.s32 $0xC6000, s6;
	s6 =	smax.u32 s8, $0x1  }
0xa: {  	s8 =	simm.s32 $0x140;
	s4 =	sadd.s32 $0x2400, s7;
	s7 =	simm.s32 $0x2  }
.LBB2_1:
0xb: {  	[tilespmem:s2], [sflag:$0x2] =	stream.linear.gather [hbm4b:s4+s2], $0x140, $0x38;
	[tilespmem:$0x5940] =	vst v63  }
0xc: {  	_ =	swait.ge [sflag:s7], $0x140  }
0xd: {  	[sflag:s7] =	ssyncset.done $0x0  }
0xe: {  	[sflag:s7] =	ssyncadd.s32 $0xFFFFFEC0  }
0xf: {  	[tilespmem:s8], [sflag:$0x1] =	stream.indirect.gather [hbm4b:s3+s8], $0x40, s2, s8, $0xb8;
	[tilespmem:$0x5940] =	vst v63  }
0x10: {  	_ =	swait.ge [sflag:s9], $0x5000  }
0x11: {  	[sflag:s9] =	ssyncset.done $0x0  }
0x12: {  	s12 =	simm.s32 $0x280;
	[sflag:s9] =	ssyncadd.s32 $0xFFFFB000  }
0x13: {  	v0 =	vld [tilespmem:s12+$0xFFFFFF00]  }
0x14: {  	v1 =	vld [tilespmem:s12+$0xFFFFFEC0];
	_ =	sdelay $0x1  }
0x15: {  	v2 =	vld [tilespmem:s12+$0xFFFFFF40];
	_ =	sdelay $0x1  }
0x16: {  	v3 =	vld [tilespmem:s12+$0xFFFFFF80]  }
0x17: {  	v0 =	vadd.f32 v0, v1  }
0x18: {  	v1 =	vld [tilespmem:s12+$0xFFFFFFC0]  }
0x19: {  	v0 =	vadd.f32 v2, v0  }
0x1a: {  	v2 =	vld [tilespmem:s12+$0x0]  }
0x1b: {  	v0 =	vadd.f32 v3, v0  }
0x1c: {  	v3 =	vld [tilespmem:s12+$0x40]  }
0x1d: {  	v0 =	vadd.f32 v1, v0  }
0x1e: {  	v1 =	vld [tilespmem:s12+$0x80]  }
0x1f: {  	v0 =	vadd.f32 v2, v0  }
0x20: {  	v2 =	vld [tilespmem:s12+$0xC0]  }
0x21: {  	v0 =	vadd.f32 v3, v0  }
0x22: {  	v3 =	vld [tilespmem:s12+$0x100]  }
0x23: {  	v0 =	vadd.f32 v1, v0;
	_ =	sdelay $0x1  }
0x24: {  	v0 =	vadd.f32 v2, v0;
	_ =	sdelay $0x1  }
0x25: {  	v0 =	vadd.f32 v3, v0;
	_ =	sdelay $0x1  }
0x26: {  	v0 =	vmul.f32 $1.000000010e-01, v0  }
0x27: {  	s13 =	simm.s32 $0x0  }
0x28: {  	[tilespmem:s13+$0x5140] =	vst v0  }
0x29: {  	v0 =	vld [tilespmem:s12+$0xFFFFFED0]  }
0x2a: {  	v1 =	vld [tilespmem:s12+$0xFFFFFF10];
	_ =	sdelay $0x1  }
0x2b: {  	v2 =	vld [tilespmem:s12+$0xFFFFFF50];
	_ =	sdelay $0x1  }
0x2c: {  	v3 =	vld [tilespmem:s12+$0xFFFFFF90]  }
0x2d: {  	v0 =	vadd.f32 v1, v0  }
0x2e: {  	v1 =	vld [tilespmem:s12+$0xFFFFFFD0]  }
0x2f: {  	v0 =	vadd.f32 v2, v0  }
0x30: {  	v2 =	vld [tilespmem:s12+$0x10]  }
0x31: {  	v0 =	vadd.f32 v3, v0  }
0x32: {  	v3 =	vld [tilespmem:s12+$0x50]  }
0x33: {  	v0 =	vadd.f32 v1, v0  }
0x34: {  	v1 =	vld [tilespmem:s12+$0x90]  }
0x35: {  	v0 =	vadd.f32 v2, v0  }
0x36: {  	v2 =	vld [tilespmem:s12+$0xD0]  }
0x37: {  	v0 =	vadd.f32 v3, v0  }
0x38: {  	v3 =	vld [tilespmem:s12+$0x110]  }
0x39: {  	v0 =	vadd.f32 v1, v0;
	_ =	sdelay $0x1  }
0x3a: {  	v0 =	vadd.f32 v2, v0;
	_ =	sdelay $0x1  }
0x3b: {  	v0 =	vadd.f32 v3, v0;
	_ =	sdelay $0x1  }
0x3c: {  	v0 =	vmul.f32 $1.000000010e-01, v0;
	_ =	sdelay $0x1  }
0x3d: {  	[tilespmem:s13+$0x5150] =	vst v0  }
0x3e: {  	v0 =	vld [tilespmem:s12+$0xFFFFFEE0]  }
0x3f: {  	v1 =	vld [tilespmem:s12+$0xFFFFFF20];
	_ =	sdelay $0x1  }
0x40: {  	v2 =	vld [tilespmem:s12+$0xFFFFFF60];
	_ =	sdelay $0x1  }
0x41: {  	v3 =	vld [tilespmem:s12+$0xFFFFFFA0]  }
0x42: {  	v0 =	vadd.f32 v1, v0  }
0x43: {  	v1 =	vld [tilespmem:s12+$0xFFFFFFE0]  }
0x44: {  	v0 =	vadd.f32 v2, v0  }
0x45: {  	v2 =	vld [tilespmem:s12+$0x20]  }
0x46: {  	v0 =	vadd.f32 v3, v0  }
0x47: {  	v3 =	vld [tilespmem:s12+$0x60]  }
0x48: {  	v0 =	vadd.f32 v1, v0  }
0x49: {  	v1 =	vld [tilespmem:s12+$0xA0]  }
0x4a: {  	v0 =	vadd.f32 v2, v0  }
0x4b: {  	v2 =	vld [tilespmem:s12+$0xE0]  }
0x4c: {  	v0 =	vadd.f32 v3, v0  }
0x4d: {  	v3 =	vld [tilespmem:s12+$0x120]  }
0x4e: {  	v0 =	vadd.f32 v1, v0;
	_ =	sdelay $0x1  }
0x4f: {  	v0 =	vadd.f32 v2, v0;
	_ =	sdelay $0x1  }
0x50: {  	v0 =	vadd.f32 v3, v0;
	_ =	sdelay $0x1  }
0x51: {  	v0 =	vmul.f32 $1.000000010e-01, v0;
	_ =	sdelay $0x1  }
0x52: {  	[tilespmem:s13+$0x5160] =	vst v0  }
0x53: {  	v0 =	vld [tilespmem:s12+$0xFFFFFEF0]  }
0x54: {  	v1 =	vld [tilespmem:s12+$0xFFFFFF30];
	_ =	sdelay $0x1  }
0x55: {  	v2 =	vld [tilespmem:s12+$0xFFFFFF70];
	_ =	sdelay $0x1  }
0x56: {  	v3 =	vld [tilespmem:s12+$0xFFFFFFB0]  }
0x57: {  	v0 =	vadd.f32 v1, v0  }
0x58: {  	v1 =	vld [tilespmem:s12+$0xFFFFFFF0]  }
0x59: {  	v0 =	vadd.f32 v2, v0  }
0x5a: {  	v2 =	vld [tilespmem:s12+$0x30]  }
0x5b: {  	v0 =	vadd.f32 v3, v0  }
0x5c: {  	v3 =	vld [tilespmem:s12+$0x70]  }
0x5d: {  	v0 =	vadd.f32 v1, v0  }
0x5e: {  	v1 =	vld [tilespmem:s12+$0xB0]  }
0x5f: {  	v0 =	vadd.f32 v2, v0;
	_ =	sdelay $0x1  }
0x60: {  	v2 =	vld [tilespmem:s12+$0xF0];
	v0 =	vadd.f32 v3, v0;
	_ =	sdelay $0x1  }
0x61: {  	v1 =	vadd.f32 v1, v0;
	v0 =	vld [tilespmem:s12+$0x130];
	_ =	sdelay $0x2  }
0x62: {  	s14 =	simm.s32 $0x100;
	v1 =	vadd.f32 v2, v1  }
.LBB2_2:
0x63: {  	p0 =	sne.s32 s14, $0x1F00  }
0x64: {  	s12 =	sadd.s32 $0x280, s12;
	s15 =	smov.u32 s14;
	s14 =	sadd.s32 $0x100, s14;
	v0 =	vadd.f32 v0, v1  }
0x65: {  	_ = 	snop  }
0x66: {  	v0 =	vmul.f32 $1.000000010e-01, v0;
	_ =	sdelay $0x1  }
0x67: {  	[tilespmem:s13+$0x5170] =	vst v0  }
0x68: {  	v0 =	vld [tilespmem:s12+$0xFFFFFF00]  }
0x69: {  	v1 =	vld [tilespmem:s12+$0xFFFFFEC0];
	_ =	sdelay $0x1  }
0x6a: {  	v2 =	vld [tilespmem:s12+$0xFFFFFF40];
	_ =	sdelay $0x1  }
0x6b: {  	v3 =	vld [tilespmem:s12+$0xFFFFFF80]  }
0x6c: {  	v0 =	vadd.f32 v0, v1  }
0x6d: {  	v1 =	vld [tilespmem:s12+$0xFFFFFFC0]  }
0x6e: {  	v0 =	vadd.f32 v2, v0  }
0x6f: {  	v2 =	vld [tilespmem:s12+$0x0]  }
0x70: {  	v0 =	vadd.f32 v3, v0  }
0x71: {  	v3 =	vld [tilespmem:s12+$0x40]  }
0x72: {  	v0 =	vadd.f32 v1, v0  }
0x73: {  	v1 =	vld [tilespmem:s12+$0x80]  }
0x74: {  	v0 =	vadd.f32 v2, v0  }
0x75: {  	v2 =	vld [tilespmem:s12+$0xC0]  }
0x76: {  	v0 =	vadd.f32 v3, v0  }
0x77: {  	v3 =	vld [tilespmem:s12+$0x100]  }
0x78: {  	v0 =	vadd.f32 v1, v0;
	_ =	sdelay $0x1  }
0x79: {  	v0 =	vadd.f32 v2, v0;
	_ =	sdelay $0x1  }
0x7a: {  	v0 =	vadd.f32 v3, v0;
	_ =	sdelay $0x1  }
0x7b: {  	v0 =	vmul.f32 $1.000000010e-01, v0  }
0x7c: {  	s13 =	sshra.s32 s15, $0x2  }
0x7d: {  	[tilespmem:s13+$0x5140] =	vst v0  }
0x7e: {  	v0 =	vld [tilespmem:s12+$0xFFFFFED0]  }
0x7f: {  	v1 =	vld [tilespmem:s12+$0xFFFFFF10];
	_ =	sdelay $0x1  }
0x80: {  	v2 =	vld [tilespmem:s12+$0xFFFFFF50];
	_ =	sdelay $0x1  }
0x81: {  	v3 =	vld [tilespmem:s12+$0xFFFFFF90]  }
0x82: {  	v0 =	vadd.f32 v1, v0  }
0x83: {  	v1 =	vld [tilespmem:s12+$0xFFFFFFD0]  }
0x84: {  	v0 =	vadd.f32 v2, v0  }
0x85: {  	v2 =	vld [tilespmem:s12+$0x10]  }
0x86: {  	v0 =	vadd.f32 v3, v0  }
0x87: {  	v3 =	vld [tilespmem:s12+$0x50]  }
0x88: {  	v0 =	vadd.f32 v1, v0  }
0x89: {  	v1 =	vld [tilespmem:s12+$0x90]  }
0x8a: {  	v0 =	vadd.f32 v2, v0  }
0x8b: {  	v2 =	vld [tilespmem:s12+$0xD0]  }
0x8c: {  	v0 =	vadd.f32 v3, v0  }
0x8d: {  	v3 =	vld [tilespmem:s12+$0x110]  }
0x8e: {  	v0 =	vadd.f32 v1, v0;
	_ =	sdelay $0x1  }
0x8f: {  	v0 =	vadd.f32 v2, v0;
	_ =	sdelay $0x1  }
0x90: {  	v0 =	vadd.f32 v3, v0;
	_ =	sdelay $0x1  }
0x91: {  	v0 =	vmul.f32 $1.000000010e-01, v0;
	_ =	sdelay $0x1  }
0x92: {  	[tilespmem:s13+$0x5150] =	vst v0  }
0x93: {  	v0 =	vld [tilespmem:s12+$0xFFFFFEE0]  }
0x94: {  	v1 =	vld [tilespmem:s12+$0xFFFFFF20];
	_ =	sdelay $0x1  }
0x95: {  	v2 =	vld [tilespmem:s12+$0xFFFFFF60];
	_ =	sdelay $0x1  }
0x96: {  	v3 =	vld [tilespmem:s12+$0xFFFFFFA0]  }
0x97: {  	v0 =	vadd.f32 v1, v0  }
0x98: {  	v1 =	vld [tilespmem:s12+$0xFFFFFFE0]  }
0x99: {  	v0 =	vadd.f32 v2, v0  }
0x9a: {  	v2 =	vld [tilespmem:s12+$0x20]  }
0x9b: {  	v0 =	vadd.f32 v3, v0  }
0x9c: {  	v3 =	vld [tilespmem:s12+$0x60]  }
0x9d: {  	v0 =	vadd.f32 v1, v0  }
0x9e: {  	v1 =	vld [tilespmem:s12+$0xA0]  }
0x9f: {  	v0 =	vadd.f32 v2, v0  }
0xa0: {  	v2 =	vld [tilespmem:s12+$0xE0]  }
0xa1: {  	v0 =	vadd.f32 v3, v0  }
0xa2: {  	v3 =	vld [tilespmem:s12+$0x120]  }
0xa3: {  	v0 =	vadd.f32 v1, v0;
	_ =	sdelay $0x1  }
0xa4: {  	v0 =	vadd.f32 v2, v0;
	_ =	sdelay $0x1  }
0xa5: {  	v0 =	vadd.f32 v3, v0;
	_ =	sdelay $0x1  }
0xa6: {  	v0 =	vmul.f32 $1.000000010e-01, v0;
	_ =	sdelay $0x1  }
0xa7: {  	[tilespmem:s13+$0x5160] =	vst v0  }
0xa8: {  	v0 =	vld [tilespmem:s12+$0xFFFFFEF0]  }
0xa9: {  	v1 =	vld [tilespmem:s12+$0xFFFFFF30]  }
0xaa: {  	v2 =	vld [tilespmem:s12+$0xFFFFFF70]  }
0xab: {  	v3 =	vld [tilespmem:s12+$0xFFFFFFB0]  }
0xac: {  	v4 =	vld [tilespmem:s12+$0xFFFFFFF0]  }
0xad: {  	v5 =	vld [tilespmem:s12+$0x30]  }
0xae: {  	v0 =	vadd.f32 v1, v0;
	v1 =	vld [tilespmem:s12+$0x70]  }
0xaf: {  	v6 =	vld [tilespmem:s12+$0xB0]  }
0xb0: {  	v2 =	vadd.f32 v2, v0;
	v7 =	vld [tilespmem:s12+$0xF0]  }
0xb1: {  	v0 =	vld [tilespmem:s12+$0x130]  }
0xb2: {  	v2 =	vadd.f32 v3, v2;
	_ =	sdelay $0x1  }
0xb3: {  	v2 =	vadd.f32 v4, v2;
	_ =	sdelay $0x1  }
0xb4: {  	v2 =	vadd.f32 v5, v2;
	_ =	sdelay $0x1  }
.Ltmp0:
0xb5: {  	v1 =	vadd.f32 v1, v2;
	(pc) =	sbr.rel @p0 .LBB2_2-.Ltmp0, $3  }
0xb6: {  	_ = 	snop  }
0xb7: {  	v1 =	vadd.f32 v6, v1;
	_ =	sdelay $0x1  }
0xb8: {  	v1 =	vadd.f32 v7, v1  }
0xb9: {  	_ = 	snop  }
0xba: {  	v0 =	vadd.f32 v0, v1;
	_ =	sdelay $0x1  }
0xbb: {  	s11 =	sadd.s32 $0x1, s11;
	v0 =	vmul.f32 $1.000000010e-01, v0  }
0xbc: {  	p0 =	sne.s32 s11, s6  }
.Ltmp1:
0xbd: {  	[tilespmem:s13+$0x5170] =	vst v0;
	(pc) =	sbr.rel @p0 .LBB2_1-.Ltmp1, $4  }
0xbe: {  	[hbm4b:s5+s2] =	stream.linear.scatter [tilespmem:s10], [sflag:$0x2], $0x800, $0x38;
	[tilespmem:$0x5940] =	vst v63  }
0xbf: {  	_ =	swait.ge [sflag:s7], $0x800  }
0xc0: {  	[sflag:s7] =	ssyncset.done $0x0  }
0xc1: {  	[sflag:s7] =	ssyncadd.s32 $0xFFFFF800  }
0xc2: {  	_ =	sfence.sel $0x180000  }
0xc3: {  	[bflag:$0x0] =	sbarrier.arrive $0xFFFF  }
0xc4: {  	p0 =	sne.s32 s1, $0x0;
	_ =	strace $0x90000047  }
0xc5: {  	s0 =	sadd.s32 @!p0 $0x100000, s0;
	[bflag:$0x2] =	sbarrier.arrive $0xFFFF  }
0xc6: {  	[sflag:s0] =	ssyncadd.tile.s32 @!p0 $0x1;
	_ =	shalt  }
.Lfunc_end2:
_tile_overlayer_lowered:
.L_overlay_start_2:
0xc7: {  	(tag) =	ssettag $0x2  }
0xc8: {  	s0 =	rddreg [dreg:$0x0];
	s2 =	stileid.u32  }
0xc9: {  	s1 =	rddreg [dreg:$0x1];
	p0 =	sne.s32 s2, $0x0  }
0xca: {  	s3 =	rddreg [dreg:$0x2];
	[bflag:$0x3] =	sbarrier.arrive $0xFFFF;
	s2 =	simm.s32 @!p0 $0x1C02  }
0xcb: {  	[timem:s3], [sflag:s2] =	dma.local @!p0 [hbm:s0], s1  }
0xcc: {  	s0 =	simm.s32 @!p0 $0x2  }
0xcd: {  	_ =	swait.ge @!p0 [sflag:s0], s1  }
0xce: {  	s1 =	ssub.s32 @!p0 $0x0, s1;
	[sflag:s0] =	ssyncset.done @!p0 $0x0  }
0xcf: {  	[sflag:s0] =	ssyncadd.s32 @!p0 s1  }
0xd0: {  	[bflag:$0x3] =	sbarrier.arrive $0xFFFF  }
0xd1: {  	_ =	shalt  }

// kernel: sparse-core-data-format-call.cloned.1.call-start
scs
called_computation_lowered:
.L_overlay_start_0:
0x0: {  	s2 =	sld [smem:$0x3FD9]  }
0x1: {  	s3 =	sld [smem:$0x3FFE];
	_ =	sdelay $0x1  }
0x2: {  	s1 =	srdreg.scid  }
0x3: {  	s0 =	sand.u32 $0x1, s1  }
0x4: {  	s18 =	sshll.u32 s0, $0xA;
	s2 =	sadd.s32 s3, s2  }
0x5: {  	s2 =	sadd.s32 s2, s18  }
0x6: {  	[smem:$0x3FC5] =	sst s2  }
0x7: {  	_ = 	snop  }
0x8: {  	s2 =	sld [smem:$0x3FD0];
	(tm) =	ssettm $0x1  }
0x9: {  	s19 =	sld [smem:$0x3FFB];
	_ =	sdelay $0x3  }
0xa: {  	_ =	strace s19  }
0xb: {  	s3 =	sld [smem:$0x3FFC];
	_ =	sdelay $0x3  }
0xc: {  	_ =	strace s3  }
0xd: {  	s3 =	sld [smem:$0x3FFD];
	_ =	sdelay $0x3  }
0xe: {  	_ =	strace s3  }
0xf: {  	_ =	strace $0x8FFFFFFF  }
0x10: {  	s20 =	sld [smem:$0x3FDB];
	_ =	sdelay $0x1  }
0x11: {  	s4 =	simm.s32 $_scs_section_size  }
0x12: {  	s5 =	simm.s32 $_size__tile_overlayer_lowered;
	s6 =	simm.s32 $_tile_overlayer_lowered  }
0x13: {  	s23 =	simm.s32 $0x1BFF;
	s22 =	sshll.u32 s6, $0x1;
	s3 =	sadd.s32 s4, s20  }
0x14: {  	s7 =	simm.s32 $0x0;
	s21 =	sshll.u32 s5, $0x1;
	s5 =	sadd.s32 s22, s3  }
0x15: {  	[timem:s7], [sflag:s23] =	dma.local [hbm:s5], s21  }
0x16: {  	_ =	swait.ge [sflag:s23], s21  }
0x17: {  	s4 =	ssub.s32 $0x0, s21;
	[sflag:s23] =	ssyncset.done $0x0  }
0x18: {  	[sflag:s23] =	ssyncadd.s32 s4;
	_ =	sdelay $0x1  }
0x19: {  	s24 =	simm.s32 $0x1B8B  }
0x1a: {  	_ =	swait.ge [sflag:s24], $0x1  }
0x1b: {  	[sflag:s24] =	ssyncset.done $0x0  }
0x1c: {  	s26 =	simm.s32 $0x1B8E;
	s25 =	sld [smem:$0x3FFE];
	[sflag:s24] =	ssyncadd.s32 $0xFFFFFFFF  }
0x1d: {  	s27 =	simm.s32 $execute0_lowered;
	[smem:$0x3FD2] =	sst s26  }
0x1e: {  	s5 =	sshll.u32 s27, $0x1;
	_ =	strace $0x80000049;
	[dreg:$0x1] =	wrdreg $0xFFFFFFFF  }
0x1f: {  	s28 =	simm.s32 $_size_execute0_lowered;
	s3 =	sadd.s32 s3, s5;
	[dreg:$0x0] =	wrdreg $0x0  }
0x20: {  	s5 =	sshll.u32 s28, $0x1;
	[dreg:$0x2] =	wrdreg s3  }
0x21: {  	[dreg:$0x3] =	wrdreg s5  }
0x22: {  	[dreg:$0x4] =	wrdreg $0xC0  }
0x23: {  	_ =	task [dreg:s7], $0x5FFFF  }
0x24: {  	[dreg:$0x1] =	wrdreg $0xFFFFFFFF  }
0x25: {  	[dreg:$0x0] =	wrdreg $0x60  }
0x26: {  	[dreg:$0x2] =	wrdreg s25  }
0x27: {  	[dreg:$0x3] =	wrdreg s2  }
0x28: {  	[dreg:$0x4] =	wrdreg $0x9  }
0x29: {  	_ =	task.clear_ibuf [dreg:s7], $0x5FFFF;
	_ =	strace $0x90000049  }
0x2a: {  	s29 =	simm.s32 $0x9;
	_ =	strace $0x8000004B  }
0x2b: {  	_ =	swait.ge [sflag:s29], $0x1  }
0x2c: {  	[sflag:s29] =	ssyncadd.s32 $0xFFFFFFFF  }
0x2d: {  	_ =	strace $0x9000004B  }
0x2e: {  	_ =	sfence  }
0x2f: {  	s30 =	sld [smem:$0x0];
	_ =	sdelay $0x2  }
0x30: {  	s31 =	sshll.u32 s1, $0xD;
	s1 =	sshrl.u32 s1, $0x2  }
0x31: {  	s3 =	sand.u32 $0x4000, s31;
	s1 =	sadd.s32 s1, s30  }
0x32: {  	s0 =	sor.u32 s3, s0;
	s1 =	sshll.u32 s1, $0x11  }
0x33: {  	s0 =	sor.u32 s1, s0  }
0x34: {  	s0 =	sadd.s32 $0x8F2B, s0  }
0x35: {  	[sflag:s0] =	ssyncadd.remote.s32 $0x1  }
0x36: {  	_ =	sfence.sel $0xFFFF  }
0x37: {  	[dreg:$0x0] =	wrdreg $0xFFFFFFFF;
	(pc) =	sbr.abs _section_cstart, $3  }
0x38: {  	[dreg:$0x1] =	wrdreg $0xFFFFFFFF  }
0x39: {  	_ =	task.clear_ibuf [dreg:s7], $0x2FFFF;
	_ =	strace $0x9FFFFFFF  }
0x3a: {  	(tm) =	ssettm $0x7FFFFFFF  }
0x3b: {  	_ =	shalt  }
tec
execute0_lowered:
.L_overlay_start_1:
0x0: {  	(tag) =	ssettag $0x1  }
0x1: {  	s0 =	stileid.u32  }
0x2: {  	s2 =	srdreg.scid;
	s7 =	rddreg [dreg:$0x0]  }
0x3: {  	s6 =	simm.s32 $0x1;
	s31 =	simm.s32 $0x2;
	s16 =	simm.s32 $0x0  }
0x4: {  	s9 =	simm.s32 $0x2000;
	s15 =	simm.s32 $0x0;
	s10 =	simm.s32 $0x0  }
0x5: {  	s11 =	simm.s32 $0x0;
	s14 =	simm.s32 $0x0;
	s1 =	sshll.u32 s0, $0x7  }
0x6: {  	s3 =	sshll.u32 s0, $0x4;
	s2 =	sshll.u32 s2, $0x8;
	s1 =	sand.u32 $0x380, s1  }
0x7: {  	s7 =	sadd.s32 $0x6400, s7;
	s2 =	sor.u32 s3, s2;
	s5 =	ssub.s32 $0x400, s1  }
0x8: {  	s3 =	rddreg [dreg:$0x1];
	s4 =	sand.u32 $0x180, s2;
	s29 =	sand.u32 $0x380, s5  }
0x9: {  	s30 =	ssub.s32 $0x18680, s4;
	s5 =	sshrl.u32 s5, $0xA;
	p0 =	sne.s32 s29, $0x0  }
.Ltmp0:
0xa: {  	s8 =	sshrl.u32 s30, $0x9;
	s6 =	simm.s32 @!p0 $0x0;
	(pc) =	sbr.rel .LBB1_1-.Ltmp0, $4  }
0xb: {  	s2 =	rddreg [dreg:$0x2];
	s8 =	sadd.s32 $0x1, s8;
	s6 =	sadd.s32 s6, s5  }
0xc: {  	_ =	strace $0x8000004A;
	s5 =	simm.s32 $0x1;
	s6 =	smul.u32 s6, s8  }
0xd: {  	s13 =	smov.u32 s1;
	s12 =	smov.u32 s4;
	[sflag:s5] =	ssyncpa.u1 $0x0  }
0xe: {  	p0 =	por $0x0, $0x0;
	[sflag:s31] =	ssyncpa.u1 $0x0;
	s8 =	sadd.s32 $0x1, s6  }
.LBB1_4:
0xf: {  	s21 =	sshra.s32 s21, $0x2;
	s27 =	sshll.u32 s10, $0xA;
	s22 =	sshll.u32 s11, $0x3  }
0x10: {  	s23 =	sshll.u32 s10, $0x7;
	s24 =	sand.u32 $0x78, s11;
	p1 =	sgt.s32 s10, $0x18620  }
0x11: {  	s25 =	sshra.s32 s10, $0x1F;
	s26 =	sshra.s32 s11, $0x1F;
	s20 =	sadd.s32 s21, s20  }
0x12: {  	v5 =	vld [tilespmem:s18+$0xFFFFFFD0];
	[tilespmem:s19+$0x2040 ss:$0x81] =	vst.msk $0xffff, v4;
	s21 =	sand.u32 $0xFFFFE000, s27;
	s22 =	sand.u32 $0xFFFFFC00, s22;
	s28 =	sand.u32 $0x380, s23  }
0x13: {  	v58 =	vld [tilespmem:s18+$0xFFFFFFE0];
	[tilespmem:s19+$0x2850 ss:$0x81] =	vst.msk $0xffff, v3;
	s23 =	smov.u32 s10;
	s30 =	sand.u32 s25, s10;
	s25 =	smov.u32 s11  }
0x14: {  	v59 =	vld [tilespmem:s18+$0xFFFFFFF0];
	[tilespmem:s19+$0x3060 ss:$0x81] =	vst.msk $0xffff, v2;
	s31 =	sand.u32 s26, s11;
	s21 =	sadd.s32 s22, s21;
	s22 =	sor.u32 s24, s28  }
0x15: {  	v60 =	vld [tilespmem:s18+$0x0];
	[tilespmem:s19+$0x0 ss:$0x81] =	vst.msk $0xffff, v1;
	s23 =	simm.s32 @!p1 $0x18620;
	p1 =	sgt.s32 s11, $0x380;
	s21 =	sshrl.u32 s21, $0xA  }
0x16: {  	v61 =	vld [tilespmem:s18+$0x10];
	[tilespmem:s20+$0x3870 ss:$0x81] =	vst.msk $0xffff, v0;
	s19 =	ssub.s32 s23, s30;
	s25 =	simm.s32 @!p1 $0x380;
	s29 =	smulhi.u32 $0x53E2D7, s21  }
0x17: {  	v62 =	vld [tilespmem:s18+$0x20];
	s23 =	ssub.s32 s25, s31;
	s26 =	sadd.s32 $0xFFFE79E0, s19;
	s19 =	ssub.s32 $0x186A0, s19;
	[tilespmem:s20+$0x810 ss:$0x81] =	vst.msk $0xffff, v5  }
0x18: {  	v63 =	vld [tilespmem:s18+$0xFFFFFFC0];
	[tilespmem:s20+$0x1020 ss:$0x81] =	vst.msk $0xffff, v58;
	p1 =	sgt.s32 s26, $0x7F;
	s28 =	sadd.s32 $0xFFFFFC80, s23;
	s24 =	sshrl.u32 s29, $0x7  }
0x19: {  	[tilespmem:s20+$0x1830 ss:$0x81] =	vst.msk $0xffff, v59;
	s23 =	ssub.s32 $0x400, s23;
	p2 =	sgt.s32 s28, $0x7F;
	s27 =	smul.u32 $0x186A0, s24  }
0x1a: {  	s30 =	sand.u32 $0x7, s11;
	[tilespmem:s20+$0x2040 ss:$0x81] =	vst.msk $0xffff, v60;
	s19 =	simm.s32 @p1 $0x0;
	s23 =	simm.s32 @p2 $0x0  }
0x1b: {  	[tilespmem:s20+$0x2850 ss:$0x81] =	vst.msk $0xffff, v61;
	s29 =	sshrl.u32 s22, $0x3;
	s19 =	smul.u32 s23, s19;
	s18 =	ssub.s32 s21, s27  }
0x1c: {  	[tilespmem:s20+$0x3060 ss:$0x81] =	vst.msk $0xffff, v62;
	s22 =	sshll.u32 s30, $0x12;
	s21 =	sadd.s32 s3, s29;
	s18 =	sshll.u32 s18, $0x7  }
0x1d: {  	[tilespmem:s20+$0x0 ss:$0x81] =	vst.msk $0xffff, v63;
	s31 =	sor.u32 $0x400, s22;
	s19 =	sand.u32 $0x3FFFFFFF, s19;
	s18 =	sadd.s32 s18, s21  }
0x1e: {  	[hbm4b:s18+s31] =	stream.strided.scatter [tilespmem:s17], [sflag:$0x2], s19, s9, s31, $0x20;
	[tilespmem:$0x10100] =	vst v63  }
.LBB1_5:
0x1f: {  	p1 =	slt.u32 s14, $0x2  }
0x20: {  	s18 =	smov.u32 s16;
	p2 =	sgt.s32 @!p1 s16, $0x18620;
	s17 =	sshra.s32 @!p1 s16, $0x1F  }
0x21: {  	p3 =	sgt.s32 @!p1 s15, $0x380;
	s19 =	sshra.s32 @!p1 s15, $0x1F;
	p2 =	por !p2, p1  }
0x22: {  	s16 =	sand.u32 @!p1 s17, s16;
	p3 =	por !p3, p1;
	s17 =	smov.u32 s15  }
0x23: {  	s15 =	sand.u32 @!p1 s19, s15;
	s18 =	simm.s32 @p2 $0x18620;
	s17 =	simm.s32 @p3 $0x380  }
0x24: {  	s16 =	ssub.s32 @!p1 s18, s16;
	s15 =	ssub.s32 @!p1 s17, s15  }
0x25: {  	s19 =	smov.u32 s13;
	s17 =	sadd.s32 @!p1 $0xFFFE79E0, s16;
	s18 =	sadd.s32 @!p1 $0xFFFFFC80, s15  }
0x26: {  	s16 =	ssub.s32 @!p1 $0x186A0, s16;
	p2 =	sgt.s32 @!p1 s17, $0x7F;
	p3 =	sgt.s32 @!p1 s18, $0x7F  }
0x27: {  	s15 =	ssub.s32 @!p1 $0x400, s15;
	p2 =	por !p2, p1;
	p3 =	por !p3, p1  }
0x28: {  	s17 =	sadd.s32 $0x200, s12;
	s16 =	simm.s32 @!p2 $0x0;
	s15 =	simm.s32 @!p3 $0x0  }
0x29: {  	p2 =	sgt.s32 s17, $0x1869F;
	s15 =	smul.u32 @!p1 s15, s16;
	s16 =	sadd.s32 $0x400, s13  }
0x2a: {  	s19 =	smov.u32 @p2 s16  }
0x2b: {  	s17 =	smov.u32 @p2 s4;
	p2 =	sgt.s32 s19, $0x3FF  }
0x2c: {  	s19 =	smov.u32 @p2 s1;
	p2 =	sne.s32 s14, s8  }
.Ltmp1:
0x2d: {  	p0 =	por !p0, !p0;
	s18 =	simm.s32 @!p1 $0x2;
	(pc) =	sbr.rel @!p2 .LBB1_6-.Ltmp1, $4  }
0x2e: {  	s16 =	smov.u32 s10;
	s10 =	smov.u32 s12;
	s15 =	sand.u32 @!p1 $0x3FFFFFFF, s15  }
0x2f: {  	s12 =	smov.u32 s17;
	_ =	swait.ge @!p1 [sflag:s18], s15;
	s20 =	ssub.s32 @!p1 $0x0, s15  }
0x30: {  	s15 =	smov.u32 s11;
	s14 =	sadd.s32 $0x1, s14;
	[sflag:s18] =	ssyncset.done @!p1 $0x0  }
0x31: {  	s11 =	smov.u32 s13;
	s13 =	smov.u32 s19;
	[sflag:s18] =	ssyncadd.s32 @!p1 s20  }
.LBB1_1:
0x32: {  	p1 =	sge.u32 s14, s6  }
0x33: {  	s17 =	sshrl.u32 @!p1 s13, $0x3  }
0x34: {  	s18 =	sshll.u32 @!p1 s12, $0x3;
	s17 =	smul.u32 @!p1 $0xC3800, s17  }
0x35: {  	s19 =	sshll.u32 @!p1 s13, $0x7;
	s18 =	sand.u32 @!p1 $0xFFFFFC00, s18  }
0x36: {  	s17 =	sadd.s32 @!p1 s17, s18;
	s18 =	sand.u32 @!p1 $0x380, s19  }
0x37: {  	s19 =	sand.u32 @!p1 $0x7F, s12;
	s17 =	sor.u32 @!p1 s18, s17  }
0x38: {  	s18 =	sor.u32 @!p1 s19, s17  }
0x39: {  	s19 =	smulhi.u32 @!p1 $0xA79C7B17, s18;
	_ =	sdelay $0x1  }
0x3a: {  	s17 =	smulhi.u32 @!p1 $0xA79C7B17, s17;
	s19 =	sshrl.u32 @!p1 s19, $0x10  }
0x3b: {  	s19 =	smul.u32 @!p1 $0x18700, s19  }
0x3c: {  	s31 =	sadd.s32 $0xFFFFFFFF, s14;
	s20 =	sxor.u32 @!p1 $0xFFFFFFFF, s14;
	s17 =	sshrl.u32 @!p1 s17, $0x10  }
0x3d: {  	s20 =	sshll.u32 @!p1 s20, $0xE;
	s17 =	sand.u32 @!p1 $0x3FF, s17;
	s18 =	ssub.s32 @!p1 s18, s19  }
0x3e: {  	s17 =	smul.u32 @!p1 $0x30E0, s17;
	s19 =	sshrl.u32 @!p1 s18, $0x3;
	s18 =	sand.u32 @!p1 $0x7, s18  }
0x3f: {  	s20 =	sand.u32 @!p1 $0x4000, s20;
	s19 =	sadd.s32 @!p1 s7, s19;
	s18 =	sshll.u32 @!p1 s18, $0x12  }
0x40: {  	s17 =	sadd.s32 @!p1 s17, s19;
	s18 =	sor.u32 @!p1 $0x400, s18;
	s19 =	simm.s32 @!p1 $0xC3800  }
0x41: {  	[tilespmem:s20], [sflag:$0x1] =	stream.strided.gather @!p1 [hbm4b:s17+s18], $0x4000, s19, s18, $0x38;
	[tilespmem:$0x10100] =	vst v63  }
0x42: {  	p1 =	sge.u32 s31, s6  }
.Ltmp2:
0x43: {  	_ = 	snop;
	(pc) =	sbr.rel @p1 .LBB1_5-.Ltmp2, $1  }
0x44: {  	_ =	sdelay $0x3  }
0x45: {  	s17 =	simm.s32 $0x1  }
0x46: {  	_ =	swait.ge [sflag:s5], $0x4000;
	s17 =	simm.s32 @!p0 $0x0  }
0x47: {  	[sflag:s5] =	ssyncset.done $0x0;
	s18 =	sshll.u32 s17, $0xE  }
0x48: {  	[sflag:s5] =	ssyncadd.s32 $0xFFFFC000;
	s18 =	sor.u32 $0x40, s18  }
0x49: {  	s17 =	smul.u32 $0x10200, s17;
	v0 =	vld [tilespmem:s18+$0x30]  }
0x4a: {  	v1 =	vld [tilespmem:s18+$0xFFFFFFD0]  }
0x4b: {  	s17 =	sshrl.u32 s17, $0x2;
	v5 =	vld [tilespmem:s18+$0xFFFFFFE0]  }
0x4c: {  	v6 =	vld [tilespmem:s18+$0xFFFFFFF0];
	s20 =	sor.u32 $0x8000, s17  }
0x4d: {  	s31 =	sand.u32 $0x1, s14;
	v4 =	vld [tilespmem:s18+$0x0];
	s19 =	sadd.s32 $0x0, s20  }
0x4e: {  	v3 =	vld [tilespmem:s18+$0x10];
	s17 =	smul.u32 $0x10200, s31;
	[tilespmem:s19+$0x3870 ss:$0x81] =	vst.msk $0xffff, v0  }
0x4f: {  	v2 =	vld [tilespmem:s18+$0x20];
	[tilespmem:s19+$0x810 ss:$0x81] =	vst.msk $0xffff, v1  }
0x50: {  	s17 =	sshrl.u32 s17, $0x2;
	v1 =	vld [tilespmem:s18+$0xFFFFFFC0];
	[tilespmem:s19+$0x1020 ss:$0x81] =	vst.msk $0xffff, v5;
	s18 =	sadd.s32 $0x80, s18  }
0x51: {  	s21 =	simm.s32 $0x4;
	s22 =	simm.s32 $0x8;
	s17 =	sor.u32 $0x8000, s17;
	[tilespmem:s19+$0x1830 ss:$0x81] =	vst.msk $0xffff, v6;
	v0 =	vld [tilespmem:s18+$0x30]  }
.LBB1_3:
0x52: {  	p1 =	sne.s32 s22, $0x1FC;
	v5 =	vld [tilespmem:s18+$0xFFFFFFD0];
	[tilespmem:s19+$0x2040 ss:$0x81] =	vst.msk $0xffff, v4  }
0x53: {  	v6 =	vld [tilespmem:s18+$0xFFFFFFE0];
	[tilespmem:s19+$0x2850 ss:$0x81] =	vst.msk $0xffff, v3  }
0x54: {  	s23 =	sshra.s32 s21, $0x2;
	s21 =	smov.u32 s22;
	v7 =	vld [tilespmem:s18+$0xFFFFFFF0];
	[tilespmem:s19+$0x3060 ss:$0x81] =	vst.msk $0xffff, v2  }
.Ltmp3:
0x55: {  	v4 =	vld [tilespmem:s18+$0x0];
	[tilespmem:s19+$0x0 ss:$0x81] =	vst.msk $0xffff, v1;
	s19 =	sadd.s32 s23, s20;
	(pc) =	sbr.rel @p1 .LBB1_3-.Ltmp3, $4  }
0x56: {  	v3 =	vld [tilespmem:s18+$0x10];
	[tilespmem:s19+$0x3870 ss:$0x81] =	vst.msk $0xffff, v0  }
0x57: {  	[tilespmem:s19+$0x810 ss:$0x81] =	vst.msk $0xffff, v5;
	v2 =	vld [tilespmem:s18+$0x20]  }
0x58: {  	v1 =	vld [tilespmem:s18+$0xFFFFFFC0];
	[tilespmem:s19+$0x1020 ss:$0x81] =	vst.msk $0xffff, v6;
	s18 =	sadd.s32 $0x80, s18  }
0x59: {  	s22 =	sadd.s32 $0x4, s22;
	v0 =	vld [tilespmem:s18+$0x30];
	[tilespmem:s19+$0x1830 ss:$0x81] =	vst.msk $0xffff, v7  }
.Ltmp4:
0x5a: {  	_ = 	snop;
	(pc) =	sbr.rel .LBB1_4-.Ltmp4, $1  }
0x5b: {  	_ =	sdelay $0x3  }
.LBB1_6:
0x5c: {  	_ =	sfence.sel $0x180000  }
0x5d: {  	s1 =	simm.s32 $0x1;
	[bflag:$0x0] =	sbarrier.arrive $0xFFFF  }
0x5e: {  	s31 =	simm.s32 $0x2;
	[sflag:s1] =	ssyncpa.u1 $0x1  }
0x5f: {  	[sflag:s31] =	ssyncpa.u1 $0x1  }
0x60: {  	p0 =	sne.s32 s0, $0x0;
	_ =	strace $0x9000004A  }
0x61: {  	s0 =	sadd.s32 @!p0 $0x100000, s2;
	[bflag:$0x2] =	sbarrier.arrive $0xFFFF  }
0x62: {  	[sflag:s0] =	ssyncadd.tile.s32 @!p0 $0x1;
	_ =	shalt  }
.Lfunc_end1:
_tile_overlayer_lowered:
.L_overlay_start_2:
0x63: {  	(tag) =	ssettag $0x2  }
0x64: {  	s0 =	rddreg [dreg:$0x0];
	s2 =	stileid.u32  }
0x65: {  	s1 =	rddreg [dreg:$0x1];
	p0 =	sne.s32 s2, $0x0  }
0x66: {  	s3 =	rddreg [dreg:$0x2];
	[bflag:$0x3] =	sbarrier.arrive $0xFFFF;
	s2 =	simm.s32 @!p0 $0x1C01  }
0x67: {  	[timem:s3], [sflag:s2] =	dma.local @!p0 [hbm:s0], s1  }
0x68: {  	s0 =	simm.s32 @!p0 $0x1  }
0x69: {  	_ =	swait.ge @!p0 [sflag:s0], s1  }
0x6a: {  	s1 =	ssub.s32 @!p0 $0x0, s1;
	[sflag:s0] =	ssyncset.done @!p0 $0x0  }
0x6b: {  	[sflag:s0] =	ssyncadd.s32 @!p0 s1  }
0x6c: {  	[bflag:$0x3] =	sbarrier.arrive $0xFFFF  }
0x6d: {  	_ =	shalt  }

</sc_bundles>
